<compile_context>
chip_gen: v7x
topology: tpu7x:2x2x1
jax: 0.10.2.dev20260603
libtpu: 0.0.44.dev20260713+nightly
codegen_flags: <defaults>
</compile_context>

<pallas_src>
import jax
import jax.numpy as jnp
from jax import lax
from jax.experimental import pallas as pl
from jax.experimental.pallas import tpu as pltpu
from jax.experimental.pallas import tpu_sc as plsc

V = 1000000
D = 64
B = 4096 * 200

_info = plsc.get_sparse_core_info()
NC = _info.num_cores
NS = _info.num_subcores
NW = NC * NS
B_PER_W = B // NW
CHUNK = 256
CHUNKS = B_PER_W // CHUNK


def _sc_gather(table_hbm, idx_hbm, out_hbm, idx_v, rows_v,
               gsem0, gsem1, ssem0, ssem1):
    wid = lax.axis_index("s") * NC + lax.axis_index("c")
    flat_base = wid * B_PER_W
    gsems = (gsem0, gsem1)
    ssems = (ssem0, ssem1)

    pltpu.sync_copy(idx_hbm.at[pl.ds(flat_base, B_PER_W)], idx_v)

    def fire_rows(g, b):
        base = g * CHUNK

        @pl.loop(0, CHUNK // 16)
        def _grp(q):
            vec = idx_v[pl.ds(base + q * 16, 16)]
            for l in range(16):
                v = vec[l]
                pltpu.async_copy(
                    table_hbm.at[pl.ds(v, 1)],
                    rows_v.at[b].at[pl.ds(q * 16 + l, 1)],
                    gsems[b],
                )

    def drain_rows(b):
        pltpu.make_async_copy(
            table_hbm.at[pl.ds(0, CHUNK)], rows_v.at[b], gsems[b]
        ).wait()

    def store_async(g, b):
        pltpu.async_copy(
            rows_v.at[b],
            out_hbm.at[pl.ds(flat_base + g * CHUNK, CHUNK)],
            ssems[b],
        )

    def drain_store(b):
        pltpu.make_async_copy(
            rows_v.at[b], out_hbm.at[pl.ds(flat_base, CHUNK)], ssems[b]
        ).wait()

    fire_rows(0, 0)

    @pl.loop(0, CHUNKS, step=2)
    def _pair(g):
        drain_rows(0)
        store_async(g, 0)

        @pl.when(g > 0)
        def _():
            drain_store(1)

        fire_rows(g + 1, 1)
        drain_rows(1)
        store_async(g + 1, 1)

        @pl.when(g + 2 < CHUNKS)
        def _():
            drain_store(0)
            fire_rows(g + 2, 0)

    drain_store(0)
    drain_store(1)


@jax.jit
def _lookup(idx_flat, table):
    mesh = plsc.VectorSubcoreMesh(core_axis_name="c", subcore_axis_name="s")
    run = pl.kernel(
        _sc_gather,
        out_type=jax.ShapeDtypeStruct((B, D), jnp.float32),
        mesh=mesh,
        scratch_types=[
            pltpu.VMEM((B_PER_W,), jnp.int32),
            pltpu.VMEM((2, CHUNK, D), jnp.float32),
            pltpu.SemaphoreType.DMA,
            pltpu.SemaphoreType.DMA,
            pltpu.SemaphoreType.DMA,
            pltpu.SemaphoreType.DMA,
        ],
        compiler_params=pltpu.CompilerParams(use_tc_tiling_on_sc=True),
    )
    return run(table, idx_flat)


def kernel(indices, table):
    idx = indices.astype(jnp.int32).reshape(B)
    out = _lookup(idx, table)
    return out.reshape(indices.shape + (D,))

# --- scband reference (transcript-rebuilt; emitter-appended) ---
"""Pipeline reference for scband-embeddings-lm-49752901157182 (READ-ONLY COPY).

The authoritative reference and input builder live on the scoring server;
editing this copy changes nothing except your own understanding.
"""

import jax, jax.numpy as jnp
import numpy as np

V = 1000000
D = 64

def setup_inputs(seed: int = 0) -> dict:
    key = jax.random.key(seed)
    k1, k2 = jax.random.split(key)
    indices = jax.random.randint(k1, (4096, 200), 0, V, dtype=jnp.int64)
    table = jax.random.normal(k2, (V, D), dtype=jnp.float32) * 0.02
    return {"indices": indices, "table": table}

def reference(indices, table):
    # EmbeddingsLM forward: embedding lookup (dropout_prob=0.0 -> identity)
    out = jnp.take(table, indices, axis=0)
    return out

if __name__ == "__main__":
    import jax
    _d = setup_inputs()
    print(jax.jit(kernel)(*tuple(_d.values())))

</pallas_src>

<mosaic_0001>
#map = affine_map<(d0, d1) -> (0, 0)>
#map1 = affine_map<(d0, d1) -> (0)>
module attributes {stable_mosaic.version = 14 : i64} {
  func.func @_sc_gather(%arg0: i32, %arg1: i32, %arg2: memref<1000000x64xf32, #tpu.memory_space<hbm>>, %arg3: memref<819200xi32, #tpu.memory_space<hbm>>, %arg4: memref<819200x64xf32, #tpu.memory_space<hbm>>, %arg5: memref<25600xi32, #tpu.memory_space<vmem>>, %arg6: memref<2x256x64xf32, #tpu.memory_space<vmem>>, %arg7: memref<!tpu.dma_semaphore, #tpu.memory_space<semaphore_mem>>, %arg8: memref<!tpu.dma_semaphore, #tpu.memory_space<semaphore_mem>>, %arg9: memref<!tpu.dma_semaphore, #tpu.memory_space<semaphore_mem>>, %arg10: memref<!tpu.dma_semaphore, #tpu.memory_space<semaphore_mem>>) attributes {dimension_semantics = [#tpu.dimension_semantics<core_parallel>, #tpu.dimension_semantics<subcore_parallel>], iteration_bounds = array<i64: 2, 16>, scalar_prefetch = 0 : i64, scratch_operands = 6 : i64, tpu.core_type = #tpu.core_type<sc_vector_subcore>, window_params = [{transform_indices = #map}, {transform_indices = #map1}, {transform_indices = #map}]} {
    %mul3A = arith.constant 2 : i32
    %mul3A_0 = arith.muli %arg1, %mul3A : i32
    %add3A = arith.addi %mul3A_0, %arg0 : i32
    %mul3A_1 = arith.constant 25600 : i32
    %mul3A_2 = arith.muli %add3A, %mul3A_1 : i32
    "tpu.region"() ({
      %run_scoped3A = tpu.sem_alloc : memref<!tpu.dma_semaphore, #tpu.memory_space<semaphore_mem>>
      %dma_start3A = tpu.memref_slice %arg3[%mul3A_2] : memref<819200xi32, #tpu.memory_space<hbm>> -> memref<25600xi32, #tpu.memory_space<hbm>>
      %dma_start3A_37 = tpu.memref_slice %arg3[%mul3A_2] : memref<819200xi32, #tpu.memory_space<hbm>> -> memref<25600xi32, #tpu.memory_space<hbm>>
      tpu.enqueue_dma source(%dma_start3A_37 : memref<25600xi32, #tpu.memory_space<hbm>>) target(%arg5 : memref<25600xi32, #tpu.memory_space<vmem>>) target_semaphore(%run_scoped3A : memref<!tpu.dma_semaphore, #tpu.memory_space<semaphore_mem>>)
      %dma_wait3A_38 = tpu.memref_slice %arg3[%mul3A_2] : memref<819200xi32, #tpu.memory_space<hbm>> -> memref<25600xi32, #tpu.memory_space<hbm>>
      %dma_wait3A_39 = tpu.memref_slice %arg3[%mul3A_2] : memref<819200xi32, #tpu.memory_space<hbm>> -> memref<25600xi32, #tpu.memory_space<hbm>>
      tpu.wait_dma2 semaphore(%run_scoped3A : memref<!tpu.dma_semaphore, #tpu.memory_space<semaphore_mem>>) src(%dma_wait3A_39 : memref<25600xi32, #tpu.memory_space<hbm>>) dst(%arg5 : memref<25600xi32, #tpu.memory_space<vmem>>)
      tpu.yield
    }) : () -> ()
    %scan3A = arith.constant 0 : i32
    %scan3A_3 = arith.constant 16 : i32
    %scan3A_4 = arith.addi %scan3A, %scan3A_3 : i32
    %scan3A_5 = arith.constant 1 : i32
    scf.for %scan3A_37 = %scan3A to %scan3A_4 step %scan3A_5  : i32 {
      %mul3A_38 = arith.constant 1 : i32
      %mul3A_39 = arith.muli %scan3A_37, %mul3A_38 : i32
      %add3A_40 = arith.constant 0 : i32
      %add3A_41 = arith.addi %add3A_40, %mul3A_39 : i32
      %mul3A_42 = arith.constant 16 : i32
      %mul3A_43 = arith.muli %add3A_41, %mul3A_42 : i32
      %add3A_44 = arith.constant 0 : i32
      %add3A_45 = arith.addi %add3A_44, %mul3A_43 : i32
      %get3A = arith.index_cast %add3A_45 : i32 to index
      %get3A_46 = tpu.vector_load %arg5[%get3A] {strides = array<i32>} : memref<25600xi32, #tpu.memory_space<vmem>>, vector<16xi32>,
      %get3A_47 = vector.shape_cast %get3A_46 : vector<16xi32> to vector<16xi32>
      %slice3A = vector.extract_strided_slice %get3A_47 {offsets = [0], sizes = [1], strides = [1]} : vector<16xi32> to vector<1xi32>
      %squeeze3A = vector.extract %slice3A[0] : i32 from vector<1xi32>
      %mul3A_48 = arith.constant 16 : i32
      %mul3A_49 = arith.muli %add3A_41, %mul3A_48 : i32
      %add3A_50 = arith.constant 0 : i32
      %add3A_51 = arith.addi %mul3A_49, %add3A_50 : i32
      %dma_start3A = arith.constant 0 : i32
      %dma_start3A_52 = arith.constant 0 : i32
      %dma_start3A_53 = arith.constant 0 : i32
      %dma_start3A_54 = tpu.memref_slice %arg6[%dma_start3A, %dma_start3A_52, %dma_start3A_53] : memref<2x256x64xf32, #tpu.memory_space<vmem>> -> memref<1x256x64xf32, #tpu.memory_space<vmem>>
      %dma_start3A_55 = tpu.memref_squeeze %dma_start3A_54 : memref<1x256x64xf32, #tpu.memory_space<vmem>> -> memref<256x64xf32, #tpu.memory_space<vmem>>
      %dma_start3A_56 = arith.constant 0 : i32
      %dma_start3A_57 = tpu.memref_slice %dma_start3A_55[%add3A_51, %dma_start3A_56] : memref<256x64xf32, #tpu.memory_space<vmem>> -> memref<1x64xf32, #tpu.memory_space<vmem>>
      %dma_start3A_58 = arith.constant 0 : i32
      %dma_start3A_59 = tpu.memref_slice %arg2[%squeeze3A, %dma_start3A_58] : memref<1000000x64xf32, #tpu.memory_space<hbm>> -> memref<1x64xf32, #tpu.memory_space<hbm>>
      %dma_start3A_60 = arith.constant 0 : i32
      %dma_start3A_61 = arith.constant 0 : i32
      %dma_start3A_62 = tpu.memref_slice %arg6[%dma_start3A, %dma_start3A_60, %dma_start3A_61] : memref<2x256x64xf32, #tpu.memory_space<vmem>> -> memref<1x256x64xf32, #tpu.memory_space<vmem>>
      %dma_start3A_63 = tpu.memref_squeeze %dma_start3A_62 : memref<1x256x64xf32, #tpu.memory_space<vmem>> -> memref<256x64xf32, #tpu.memory_space<vmem>>
      %dma_start3A_64 = arith.constant 0 : i32
      %dma_start3A_65 = tpu.memref_slice %dma_start3A_63[%add3A_51, %dma_start3A_64] : memref<256x64xf32, #tpu.memory_space<vmem>> -> memref<1x64xf32, #tpu.memory_space<vmem>>
      %dma_start3A_66 = arith.constant 0 : i32
      %dma_start3A_67 = tpu.memref_slice %arg2[%squeeze3A, %dma_start3A_66] : memref<1000000x64xf32, #tpu.memory_space<hbm>> -> memref<1x64xf32, #tpu.memory_space<hbm>>
      tpu.enqueue_dma source(%dma_start3A_67 : memref<1x64xf32, #tpu.memory_space<hbm>>) target(%dma_start3A_65 : memref<1x64xf32, #tpu.memory_space<vmem>>) target_semaphore(%arg7 : memref<!tpu.dma_semaphore, #tpu.memory_space<semaphore_mem>>)
      %slice3A_68 = vector.extract_strided_slice %get3A_47 {offsets = [1], sizes = [1], strides = [1]} : vector<16xi32> to vector<1xi32>
      %squeeze3A_69 = vector.extract %slice3A_68[0] : i32 from vector<1xi32>
      %mul3A_70 = arith.constant 16 : i32
      %mul3A_71 = arith.muli %add3A_41, %mul3A_70 : i32
      %add3A_72 = arith.constant 1 : i32
      %add3A_73 = arith.addi %mul3A_71, %add3A_72 : i32
      %dma_start3A_74 = arith.constant 0 : i32
      %dma_start3A_75 = arith.constant 0 : i32
      %dma_start3A_76 = arith.constant 0 : i32
      %dma_start3A_77 = tpu.memref_slice %arg6[%dma_start3A_74, %dma_start3A_75, %dma_start3A_76] : memref<2x256x64xf32, #tpu.memory_space<vmem>> -> memref<1x256x64xf32, #tpu.memory_space<vmem>>
      %dma_start3A_78 = tpu.memref_squeeze %dma_start3A_77 : memref<1x256x64xf32, #tpu.memory_space<vmem>> -> memref<256x64xf32, #tpu.memory_space<vmem>>
      %dma_start3A_79 = arith.constant 0 : i32
      %dma_start3A_80 = tpu.memref_slice %dma_start3A_78[%add3A_73, %dma_start3A_79] : memref<256x64xf32, #tpu.memory_space<vmem>> -> memref<1x64xf32, #tpu.memory_space<vmem>>
      %dma_start3A_81 = arith.constant 0 : i32
      %dma_start3A_82 = tpu.memref_slice %arg2[%squeeze3A_69, %dma_start3A_81] : memref<1000000x64xf32, #tpu.memory_space<hbm>> -> memref<1x64xf32, #tpu.memory_space<hbm>>
      %dma_start3A_83 = arith.constant 0 : i32
      %dma_start3A_84 = arith.constant 0 : i32
      %dma_start3A_85 = tpu.memref_slice %arg6[%dma_start3A_74, %dma_start3A_83, %dma_start3A_84] : memref<2x256x64xf32, #tpu.memory_space<vmem>> -> memref<1x256x64xf32, #tpu.memory_space<vmem>>
      %dma_start3A_86 = tpu.memref_squeeze %dma_start3A_85 : memref<1x256x64xf32, #tpu.memory_space<vmem>> -> memref<256x64xf32, #tpu.memory_space<vmem>>
      %dma_start3A_87 = arith.constant 0 : i32
      %dma_start3A_88 = tpu.memref_slice %dma_start3A_86[%add3A_73, %dma_start3A_87] : memref<256x64xf32, #tpu.memory_space<vmem>> -> memref<1x64xf32, #tpu.memory_space<vmem>>
      %dma_start3A_89 = arith.constant 0 : i32
      %dma_start3A_90 = tpu.memref_slice %arg2[%squeeze3A_69, %dma_start3A_89] : memref<1000000x64xf32, #tpu.memory_space<hbm>> -> memref<1x64xf32, #tpu.memory_space<hbm>>
      tpu.enqueue_dma source(%dma_start3A_90 : memref<1x64xf32, #tpu.memory_space<hbm>>) target(%dma_start3A_88 : memref<1x64xf32, #tpu.memory_space<vmem>>) target_semaphore(%arg7 : memref<!tpu.dma_semaphore, #tpu.memory_space<semaphore_mem>>)
      %slice3A_91 = vector.extract_strided_slice %get3A_47 {offsets = [2], sizes = [1], strides = [1]} : vector<16xi32> to vector<1xi32>
      %squeeze3A_92 = vector.extract %slice3A_91[0] : i32 from vector<1xi32>
      %mul3A_93 = arith.constant 16 : i32
      %mul3A_94 = arith.muli %add3A_41, %mul3A_93 : i32
      %add3A_95 = arith.constant 2 : i32
      %add3A_96 = arith.addi %mul3A_94, %add3A_95 : i32
      %dma_start3A_97 = arith.constant 0 : i32
      %dma_start3A_98 = arith.constant 0 : i32
      %dma_start3A_99 = arith.constant 0 : i32
      %dma_start3A_100 = tpu.memref_slice %arg6[%dma_start3A_97, %dma_start3A_98, %dma_start3A_99] : memref<2x256x64xf32, #tpu.memory_space<vmem>> -> memref<1x256x64xf32, #tpu.memory_space<vmem>>
      %dma_start3A_101 = tpu.memref_squeeze %dma_start3A_100 : memref<1x256x64xf32, #tpu.memory_space<vmem>> -> memref<256x64xf32, #tpu.memory_space<vmem>>
      %dma_start3A_102 = arith.constant 0 : i32
      %dma_start3A_103 = tpu.memref_slice %dma_start3A_101[%add3A_96, %dma_start3A_102] : memref<256x64xf32, #tpu.memory_space<vmem>> -> memref<1x64xf32, #tpu.memory_space<vmem>>
      %dma_start3A_104 = arith.constant 0 : i32
      %dma_start3A_105 = tpu.memref_slice %arg2[%squeeze3A_92, %dma_start3A_104] : memref<1000000x64xf32, #tpu.memory_space<hbm>> -> memref<1x64xf32, #tpu.memory_space<hbm>>
      %dma_start3A_106 = arith.constant 0 : i32
      %dma_start3A_107 = arith.constant 0 : i32
      %dma_start3A_108 = tpu.memref_slice %arg6[%dma_start3A_97, %dma_start3A_106, %dma_start3A_107] : memref<2x256x64xf32, #tpu.memory_space<vmem>> -> memref<1x256x64xf32, #tpu.memory_space<vmem>>
      %dma_start3A_109 = tpu.memref_squeeze %dma_start3A_108 : memref<1x256x64xf32, #tpu.memory_space<vmem>> -> memref<256x64xf32, #tpu.memory_space<vmem>>
      %dma_start3A_110 = arith.constant 0 : i32
      %dma_start3A_111 = tpu.memref_slice %dma_start3A_109[%add3A_96, %dma_start3A_110] : memref<256x64xf32, #tpu.memory_space<vmem>> -> memref<1x64xf32, #tpu.memory_space<vmem>>
      %dma_start3A_112 = arith.constant 0 : i32
      %dma_start3A_113 = tpu.memref_slice %arg2[%squeeze3A_92, %dma_start3A_112] : memref<1000000x64xf32, #tpu.memory_space<hbm>> -> memref<1x64xf32, #tpu.memory_space<hbm>>
      tpu.enqueue_dma source(%dma_start3A_113 : memref<1x64xf32, #tpu.memory_space<hbm>>) target(%dma_start3A_111 : memref<1x64xf32, #tpu.memory_space<vmem>>) target_semaphore(%arg7 : memref<!tpu.dma_semaphore, #tpu.memory_space<semaphore_mem>>)
      %slice3A_114 = vector.extract_strided_slice %get3A_47 {offsets = [3], sizes = [1], strides = [1]} : vector<16xi32> to vector<1xi32>
      %squeeze3A_115 = vector.extract %slice3A_114[0] : i32 from vector<1xi32>
      %mul3A_116 = arith.constant 16 : i32
      %mul3A_117 = arith.muli %add3A_41, %mul3A_116 : i32
      %add3A_118 = arith.constant 3 : i32
      %add3A_119 = arith.addi %mul3A_117, %add3A_118 : i32
      %dma_start3A_120 = arith.constant 0 : i32
      %dma_start3A_121 = arith.constant 0 : i32
      %dma_start3A_122 = arith.constant 0 : i32
      %dma_start3A_123 = tpu.memref_slice %arg6[%dma_start3A_120, %dma_start3A_121, %dma_start3A_122] : memref<2x256x64xf32, #tpu.memory_space<vmem>> -> memref<1x256x64xf32, #tpu.memory_space<vmem>>
      %dma_start3A_124 = tpu.memref_squeeze %dma_start3A_123 : memref<1x256x64xf32, #tpu.memory_space<vmem>> -> memref<256x64xf32, #tpu.memory_space<vmem>>
      %dma_start3A_125 = arith.constant 0 : i32
      %dma_start3A_126 = tpu.memref_slice %dma_start3A_124[%add3A_119, %dma_start3A_125] : memref<256x64xf32, #tpu.memory_space<vmem>> -> memref<1x64xf32, #tpu.memory_space<vmem>>
      %dma_start3A_127 = arith.constant 0 : i32
      %dma_start3A_128 = tpu.memref_slice %arg2[%squeeze3A_115, %dma_start3A_127] : memref<1000000x64xf32, #tpu.memory_space<hbm>> -> memref<1x64xf32, #tpu.memory_space<hbm>>
      %dma_start3A_129 = arith.constant 0 : i32
      %dma_start3A_130 = arith.constant 0 : i32
      %dma_start3A_131 = tpu.memref_slice %arg6[%dma_start3A_120, %dma_start3A_129, %dma_start3A_130] : memref<2x256x64xf32, #tpu.memory_space<vmem>> -> memref<1x256x64xf32, #tpu.memory_space<vmem>>
      %dma_start3A_132 = tpu.memref_squeeze %dma_start3A_131 : memref<1x256x64xf32, #tpu.memory_space<vmem>> -> memref<256x64xf32, #tpu.memory_space<vmem>>
      %dma_start3A_133 = arith.constant 0 : i32
      %dma_start3A_134 = tpu.memref_slice %dma_start3A_132[%add3A_119, %dma_start3A_133] : memref<256x64xf32, #tpu.memory_space<vmem>> -> memref<1x64xf32, #tpu.memory_space<vmem>>
      %dma_start3A_135 = arith.constant 0 : i32
      %dma_start3A_136 = tpu.memref_slice %arg2[%squeeze3A_115, %dma_start3A_135] : memref<1000000x64xf32, #tpu.memory_space<hbm>> -> memref<1x64xf32, #tpu.memory_space<hbm>>
      tpu.enqueue_dma source(%dma_start3A_136 : memref<1x64xf32, #tpu.memory_space<hbm>>) target(%dma_start3A_134 : memref<1x64xf32, #tpu.memory_space<vmem>>) target_semaphore(%arg7 : memref<!tpu.dma_semaphore, #tpu.memory_space<semaphore_mem>>)
      %slice3A_137 = vector.extract_strided_slice %get3A_47 {offsets = [4], sizes = [1], strides = [1]} : vector<16xi32> to vector<1xi32>
      %squeeze3A_138 = vector.extract %slice3A_137[0] : i32 from vector<1xi32>
      %mul3A_139 = arith.constant 16 : i32
      %mul3A_140 = arith.muli %add3A_41, %mul3A_139 : i32
      %add3A_141 = arith.constant 4 : i32
      %add3A_142 = arith.addi %mul3A_140, %add3A_141 : i32
      %dma_start3A_143 = arith.constant 0 : i32
      %dma_start3A_144 = arith.constant 0 : i32
      %dma_start3A_145 = arith.constant 0 : i32
      %dma_start3A_146 = tpu.memref_slice %arg6[%dma_start3A_143, %dma_start3A_144, %dma_start3A_145] : memref<2x256x64xf32, #tpu.memory_space<vmem>> -> memref<1x256x64xf32, #tpu.memory_space<vmem>>
      %dma_start3A_147 = tpu.memref_squeeze %dma_start3A_146 : memref<1x256x64xf32, #tpu.memory_space<vmem>> -> memref<256x64xf32, #tpu.memory_space<vmem>>
      %dma_start3A_148 = arith.constant 0 : i32
      %dma_start3A_149 = tpu.memref_slice %dma_start3A_147[%add3A_142, %dma_start3A_148] : memref<256x64xf32, #tpu.memory_space<vmem>> -> memref<1x64xf32, #tpu.memory_space<vmem>>
      %dma_start3A_150 = arith.constant 0 : i32
      %dma_start3A_151 = tpu.memref_slice %arg2[%squeeze3A_138, %dma_start3A_150] : memref<1000000x64xf32, #tpu.memory_space<hbm>> -> memref<1x64xf32, #tpu.memory_space<hbm>>
      %dma_start3A_152 = arith.constant 0 : i32
      %dma_start3A_153 = arith.constant 0 : i32
      %dma_start3A_154 = tpu.memref_slice %arg6[%dma_start3A_143, %dma_start3A_152, %dma_start3A_153] : memref<2x256x64xf32, #tpu.memory_space<vmem>> -> memref<1x256x64xf32, #tpu.memory_space<vmem>>
      %dma_start3A_155 = tpu.memref_squeeze %dma_start3A_154 : memref<1x256x64xf32, #tpu.memory_space<vmem>> -> memref<256x64xf32, #tpu.memory_space<vmem>>
      %dma_start3A_156 = arith.constant 0 : i32
      %dma_start3A_157 = tpu.memref_slice %dma_start3A_155[%add3A_142, %dma_start3A_156] : memref<256x64xf32, #tpu.memory_space<vmem>> -> memref<1x64xf32, #tpu.memory_space<vmem>>
      %dma_start3A_158 = arith.constant 0 : i32
      %dma_start3A_159 = tpu.memref_slice %arg2[%squeeze3A_138, %dma_start3A_158] : memref<1000000x64xf32, #tpu.memory_space<hbm>> -> memref<1x64xf32, #tpu.memory_space<hbm>>
      tpu.enqueue_dma source(%dma_start3A_159 : memref<1x64xf32, #tpu.memory_space<hbm>>) target(%dma_start3A_157 : memref<1x64xf32, #tpu.memory_space<vmem>>) target_semaphore(%arg7 : memref<!tpu.dma_semaphore, #tpu.memory_space<semaphore_mem>>)
      %slice3A_160 = vector.extract_strided_slice %get3A_47 {offsets = [5], sizes = [1], strides = [1]} : vector<16xi32> to vector<1xi32>
      %squeeze3A_161 = vector.extract %slice3A_160[0] : i32 from vector<1xi32>
      %mul3A_162 = arith.constant 16 : i32
      %mul3A_163 = arith.muli %add3A_41, %mul3A_162 : i32
      %add3A_164 = arith.constant 5 : i32
      %add3A_165 = arith.addi %mul3A_163, %add3A_164 : i32
      %dma_start3A_166 = arith.constant 0 : i32
      %dma_start3A_167 = arith.constant 0 : i32
      %dma_start3A_168 = arith.constant 0 : i32
      %dma_start3A_169 = tpu.memref_slice %arg6[%dma_start3A_166, %dma_start3A_167, %dma_start3A_168] : memref<2x256x64xf32, #tpu.memory_space<vmem>> -> memref<1x256x64xf32, #tpu.memory_space<vmem>>
      %dma_start3A_170 = tpu.memref_squeeze %dma_start3A_169 : memref<1x256x64xf32, #tpu.memory_space<vmem>> -> memref<256x64xf32, #tpu.memory_space<vmem>>
      %dma_start3A_171 = arith.constant 0 : i32
      %dma_start3A_172 = tpu.memref_slice %dma_start3A_170[%add3A_165, %dma_start3A_171] : memref<256x64xf32, #tpu.memory_space<vmem>> -> memref<1x64xf32, #tpu.memory_space<vmem>>
      %dma_start3A_173 = arith.constant 0 : i32
      %dma_start3A_174 = tpu.memref_slice %arg2[%squeeze3A_161, %dma_start3A_173] : memref<1000000x64xf32, #tpu.memory_space<hbm>> -> memref<1x64xf32, #tpu.memory_space<hbm>>
      %dma_start3A_175 = arith.constant 0 : i32
      %dma_start3A_176 = arith.constant 0 : i32
      %dma_start3A_177 = tpu.memref_slice %arg6[%dma_start3A_166, %dma_start3A_175, %dma_start3A_176] : memref<2x256x64xf32, #tpu.memory_space<vmem>> -> memref<1x256x64xf32, #tpu.memory_space<vmem>>
      %dma_start3A_178 = tpu.memref_squeeze %dma_start3A_177 : memref<1x256x64xf32, #tpu.memory_space<vmem>> -> memref<256x64xf32, #tpu.memory_space<vmem>>
      %dma_start3A_179 = arith.constant 0 : i32
      %dma_start3A_180 = tpu.memref_slice %dma_start3A_178[%add3A_165, %dma_start3A_179] : memref<256x64xf32, #tpu.memory_space<vmem>> -> memref<1x64xf32, #tpu.memory_space<vmem>>
      %dma_start3A_181 = arith.constant 0 : i32
      %dma_start3A_182 = tpu.memref_slice %arg2[%squeeze3A_161, %dma_start3A_181] : memref<1000000x64xf32, #tpu.memory_space<hbm>> -> memref<1x64xf32, #tpu.memory_space<hbm>>
      tpu.enqueue_dma source(%dma_start3A_182 : memref<1x64xf32, #tpu.memory_space<hbm>>) target(%dma_start3A_180 : memref<1x64xf32, #tpu.memory_space<vmem>>) target_semaphore(%arg7 : memref<!tpu.dma_semaphore, #tpu.memory_space<semaphore_mem>>)
      %slice3A_183 = vector.extract_strided_slice %get3A_47 {offsets = [6], sizes = [1], strides = [1]} : vector<16xi32> to vector<1xi32>
      %squeeze3A_184 = vector.extract %slice3A_183[0] : i32 from vector<1xi32>
      %mul3A_185 = arith.constant 16 : i32
      %mul3A_186 = arith.muli %add3A_41, %mul3A_185 : i32
      %add3A_187 = arith.constant 6 : i32
      %add3A_188 = arith.addi %mul3A_186, %add3A_187 : i32
      %dma_start3A_189 = arith.constant 0 : i32
      %dma_start3A_190 = arith.constant 0 : i32
      %dma_start3A_191 = arith.constant 0 : i32
      %dma_start3A_192 = tpu.memref_slice %arg6[%dma_start3A_189, %dma_start3A_190, %dma_start3A_191] : memref<2x256x64xf32, #tpu.memory_space<vmem>> -> memref<1x256x64xf32, #tpu.memory_space<vmem>>
      %dma_start3A_193 = tpu.memref_squeeze %dma_start3A_192 : memref<1x256x64xf32, #tpu.memory_space<vmem>> -> memref<256x64xf32, #tpu.memory_space<vmem>>
      %dma_start3A_194 = arith.constant 0 : i32
      %dma_start3A_195 = tpu.memref_slice %dma_start3A_193[%add3A_188, %dma_start3A_194] : memref<256x64xf32, #tpu.memory_space<vmem>> -> memref<1x64xf32, #tpu.memory_space<vmem>>
      %dma_start3A_196 = arith.constant 0 : i32
      %dma_start3A_197 = tpu.memref_slice %arg2[%squeeze3A_184, %dma_start3A_196] : memref<1000000x64xf32, #tpu.memory_space<hbm>> -> memref<1x64xf32, #tpu.memory_space<hbm>>
      %dma_start3A_198 = arith.constant 0 : i32
      %dma_start3A_199 = arith.constant 0 : i32
      %dma_start3A_200 = tpu.memref_slice %arg6[%dma_start3A_189, %dma_start3A_198, %dma_start3A_199] : memref<2x256x64xf32, #tpu.memory_space<vmem>> -> memref<1x256x64xf32, #tpu.memory_space<vmem>>
      %dma_start3A_201 = tpu.memref_squeeze %dma_start3A_200 : memref<1x256x64xf32, #tpu.memory_space<vmem>> -> memref<256x64xf32, #tpu.memory_space<vmem>>
      %dma_start3A_202 = arith.constant 0 : i32
      %dma_start3A_203 = tpu.memref_slice %dma_start3A_201[%add3A_188, %dma_start3A_202] : memref<256x64xf32, #tpu.memory_space<vmem>> -> memref<1x64xf32, #tpu.memory_space<vmem>>
      %dma_start3A_204 = arith.constant 0 : i32
      %dma_start3A_205 = tpu.memref_slice %arg2[%squeeze3A_184, %dma_start3A_204] : memref<1000000x64xf32, #tpu.memory_space<hbm>> -> memref<1x64xf32, #tpu.memory_space<hbm>>
      tpu.enqueue_dma source(%dma_start3A_205 : memref<1x64xf32, #tpu.memory_space<hbm>>) target(%dma_start3A_203 : memref<1x64xf32, #tpu.memory_space<vmem>>) target_semaphore(%arg7 : memref<!tpu.dma_semaphore, #tpu.memory_space<semaphore_mem>>)
      %slice3A_206 = vector.extract_strided_slice %get3A_47 {offsets = [7], sizes = [1], strides = [1]} : vector<16xi32> to vector<1xi32>
      %squeeze3A_207 = vector.extract %slice3A_206[0] : i32 from vector<1xi32>
      %mul3A_208 = arith.constant 16 : i32
      %mul3A_209 = arith.muli %add3A_41, %mul3A_208 : i32
      %add3A_210 = arith.constant 7 : i32
      %add3A_211 = arith.addi %mul3A_209, %add3A_210 : i32
      %dma_start3A_212 = arith.constant 0 : i32
      %dma_start3A_213 = arith.constant 0 : i32
      %dma_start3A_214 = arith.constant 0 : i32
      %dma_start3A_215 = tpu.memref_slice %arg6[%dma_start3A_212, %dma_start3A_213, %dma_start3A_214] : memref<2x256x64xf32, #tpu.memory_space<vmem>> -> memref<1x256x64xf32, #tpu.memory_space<vmem>>
      %dma_start3A_216 = tpu.memref_squeeze %dma_start3A_215 : memref<1x256x64xf32, #tpu.memory_space<vmem>> -> memref<256x64xf32, #tpu.memory_space<vmem>>
      %dma_start3A_217 = arith.constant 0 : i32
      %dma_start3A_218 = tpu.memref_slice %dma_start3A_216[%add3A_211, %dma_start3A_217] : memref<256x64xf32, #tpu.memory_space<vmem>> -> memref<1x64xf32, #tpu.memory_space<vmem>>
      %dma_start3A_219 = arith.constant 0 : i32
      %dma_start3A_220 = tpu.memref_slice %arg2[%squeeze3A_207, %dma_start3A_219] : memref<1000000x64xf32, #tpu.memory_space<hbm>> -> memref<1x64xf32, #tpu.memory_space<hbm>>
      %dma_start3A_221 = arith.constant 0 : i32
      %dma_start3A_222 = arith.constant 0 : i32
      %dma_start3A_223 = tpu.memref_slice %arg6[%dma_start3A_212, %dma_start3A_221, %dma_start3A_222] : memref<2x256x64xf32, #tpu.memory_space<vmem>> -> memref<1x256x64xf32, #tpu.memory_space<vmem>>
      %dma_start3A_224 = tpu.memref_squeeze %dma_start3A_223 : memref<1x256x64xf32, #tpu.memory_space<vmem>> -> memref<256x64xf32, #tpu.memory_space<vmem>>
      %dma_start3A_225 = arith.constant 0 : i32
      %dma_start3A_226 = tpu.memref_slice %dma_start3A_224[%add3A_211, %dma_start3A_225] : memref<256x64xf32, #tpu.memory_space<vmem>> -> memref<1x64xf32, #tpu.memory_space<vmem>>
      %dma_start3A_227 = arith.constant 0 : i32
      %dma_start3A_228 = tpu.memref_slice %arg2[%squeeze3A_207, %dma_start3A_227] : memref<1000000x64xf32, #tpu.memory_space<hbm>> -> memref<1x64xf32, #tpu.memory_space<hbm>>
      tpu.enqueue_dma source(%dma_start3A_228 : memref<1x64xf32, #tpu.memory_space<hbm>>) target(%dma_start3A_226 : memref<1x64xf32, #tpu.memory_space<vmem>>) target_semaphore(%arg7 : memref<!tpu.dma_semaphore, #tpu.memory_space<semaphore_mem>>)
      %slice3A_229 = vector.extract_strided_slice %get3A_47 {offsets = [8], sizes = [1], strides = [1]} : vector<16xi32> to vector<1xi32>
      %squeeze3A_230 = vector.extract %slice3A_229[0] : i32 from vector<1xi32>
      %mul3A_231 = arith.constant 16 : i32
      %mul3A_232 = arith.muli %add3A_41, %mul3A_231 : i32
      %add3A_233 = arith.constant 8 : i32
      %add3A_234 = arith.addi %mul3A_232, %add3A_233 : i32
      %dma_start3A_235 = arith.constant 0 : i32
      %dma_start3A_236 = arith.constant 0 : i32
      %dma_start3A_237 = arith.constant 0 : i32
      %dma_start3A_238 = tpu.memref_slice %arg6[%dma_start3A_235, %dma_start3A_236, %dma_start3A_237] : memref<2x256x64xf32, #tpu.memory_space<vmem>> -> memref<1x256x64xf32, #tpu.memory_space<vmem>>
      %dma_start3A_239 = tpu.memref_squeeze %dma_start3A_238 : memref<1x256x64xf32, #tpu.memory_space<vmem>> -> memref<256x64xf32, #tpu.memory_space<vmem>>
      %dma_start3A_240 = arith.constant 0 : i32
      %dma_start3A_241 = tpu.memref_slice %dma_start3A_239[%add3A_234, %dma_start3A_240] : memref<256x64xf32, #tpu.memory_space<vmem>> -> memref<1x64xf32, #tpu.memory_space<vmem>>
      %dma_start3A_242 = arith.constant 0 : i32
      %dma_start3A_243 = tpu.memref_slice %arg2[%squeeze3A_230, %dma_start3A_242] : memref<1000000x64xf32, #tpu.memory_space<hbm>> -> memref<1x64xf32, #tpu.memory_space<hbm>>
      %dma_start3A_244 = arith.constant 0 : i32
      %dma_start3A_245 = arith.constant 0 : i32
      %dma_start3A_246 = tpu.memref_slice %arg6[%dma_start3A_235, %dma_start3A_244, %dma_start3A_245] : memref<2x256x64xf32, #tpu.memory_space<vmem>> -> memref<1x256x64xf32, #tpu.memory_space<vmem>>
      %dma_start3A_247 = tpu.memref_squeeze %dma_start3A_246 : memref<1x256x64xf32, #tpu.memory_space<vmem>> -> memref<256x64xf32, #tpu.memory_space<vmem>>
      %dma_start3A_248 = arith.constant 0 : i32
      %dma_start3A_249 = tpu.memref_slice %dma_start3A_247[%add3A_234, %dma_start3A_248] : memref<256x64xf32, #tpu.memory_space<vmem>> -> memref<1x64xf32, #tpu.memory_space<vmem>>
      %dma_start3A_250 = arith.constant 0 : i32
      %dma_start3A_251 = tpu.memref_slice %arg2[%squeeze3A_230, %dma_start3A_250] : memref<1000000x64xf32, #tpu.memory_space<hbm>> -> memref<1x64xf32, #tpu.memory_space<hbm>>
      tpu.enqueue_dma source(%dma_start3A_251 : memref<1x64xf32, #tpu.memory_space<hbm>>) target(%dma_start3A_249 : memref<1x64xf32, #tpu.memory_space<vmem>>) target_semaphore(%arg7 : memref<!tpu.dma_semaphore, #tpu.memory_space<semaphore_mem>>)
      %slice3A_252 = vector.extract_strided_slice %get3A_47 {offsets = [9], sizes = [1], strides = [1]} : vector<16xi32> to vector<1xi32>
      %squeeze3A_253 = vector.extract %slice3A_252[0] : i32 from vector<1xi32>
      %mul3A_254 = arith.constant 16 : i32
      %mul3A_255 = arith.muli %add3A_41, %mul3A_254 : i32
      %add3A_256 = arith.constant 9 : i32
      %add3A_257 = arith.addi %mul3A_255, %add3A_256 : i32
      %dma_start3A_258 = arith.constant 0 : i32
      %dma_start3A_259 = arith.constant 0 : i32
      %dma_start3A_260 = arith.constant 0 : i32
      %dma_start3A_261 = tpu.memref_slice %arg6[%dma_start3A_258, %dma_start3A_259, %dma_start3A_260] : memref<2x256x64xf32, #tpu.memory_space<vmem>> -> memref<1x256x64xf32, #tpu.memory_space<vmem>>
      %dma_start3A_262 = tpu.memref_squeeze %dma_start3A_261 : memref<1x256x64xf32, #tpu.memory_space<vmem>> -> memref<256x64xf32, #tpu.memory_space<vmem>>
      %dma_start3A_263 = arith.constant 0 : i32
      %dma_start3A_264 = tpu.memref_slice %dma_start3A_262[%add3A_257, %dma_start3A_263] : memref<256x64xf32, #tpu.memory_space<vmem>> -> memref<1x64xf32, #tpu.memory_space<vmem>>
      %dma_start3A_265 = arith.constant 0 : i32
      %dma_start3A_266 = tpu.memref_slice %arg2[%squeeze3A_253, %dma_start3A_265] : memref<1000000x64xf32, #tpu.memory_space<hbm>> -> memref<1x64xf32, #tpu.memory_space<hbm>>
      %dma_start3A_267 = arith.constant 0 : i32
      %dma_start3A_268 = arith.constant 0 : i32
      %dma_start3A_269 = tpu.memref_slice %arg6[%dma_start3A_258, %dma_start3A_267, %dma_start3A_268] : memref<2x256x64xf32, #tpu.memory_space<vmem>> -> memref<1x256x64xf32, #tpu.memory_space<vmem>>
      %dma_start3A_270 = tpu.memref_squeeze %dma_start3A_269 : memref<1x256x64xf32, #tpu.memory_space<vmem>> -> memref<256x64xf32, #tpu.memory_space<vmem>>
      %dma_start3A_271 = arith.constant 0 : i32
      %dma_start3A_272 = tpu.memref_slice %dma_start3A_270[%add3A_257, %dma_start3A_271] : memref<256x64xf32, #tpu.memory_space<vmem>> -> memref<1x64xf32, #tpu.memory_space<vmem>>
      %dma_start3A_273 = arith.constant 0 : i32
      %dma_start3A_274 = tpu.memref_slice %arg2[%squeeze3A_253, %dma_start3A_273] : memref<1000000x64xf32, #tpu.memory_space<hbm>> -> memref<1x64xf32, #tpu.memory_space<hbm>>
      tpu.enqueue_dma source(%dma_start3A_274 : memref<1x64xf32, #tpu.memory_space<hbm>>) target(%dma_start3A_272 : memref<1x64xf32, #tpu.memory_space<vmem>>) target_semaphore(%arg7 : memref<!tpu.dma_semaphore, #tpu.memory_space<semaphore_mem>>)
      %slice3A_275 = vector.extract_strided_slice %get3A_47 {offsets = [10], sizes = [1], strides = [1]} : vector<16xi32> to vector<1xi32>
      %squeeze3A_276 = vector.extract %slice3A_275[0] : i32 from vector<1xi32>
      %mul3A_277 = arith.constant 16 : i32
      %mul3A_278 = arith.muli %add3A_41, %mul3A_277 : i32
      %add3A_279 = arith.constant 10 : i32
      %add3A_280 = arith.addi %mul3A_278, %add3A_279 : i32
      %dma_start3A_281 = arith.constant 0 : i32
      %dma_start3A_282 = arith.constant 0 : i32
      %dma_start3A_283 = arith.constant 0 : i32
      %dma_start3A_284 = tpu.memref_slice %arg6[%dma_start3A_281, %dma_start3A_282, %dma_start3A_283] : memref<2x256x64xf32, #tpu.memory_space<vmem>> -> memref<1x256x64xf32, #tpu.memory_space<vmem>>
      %dma_start3A_285 = tpu.memref_squeeze %dma_start3A_284 : memref<1x256x64xf32, #tpu.memory_space<vmem>> -> memref<256x64xf32, #tpu.memory_space<vmem>>
      %dma_start3A_286 = arith.constant 0 : i32
      %dma_start3A_287 = tpu.memref_slice %dma_start3A_285[%add3A_280, %dma_start3A_286] : memref<256x64xf32, #tpu.memory_space<vmem>> -> memref<1x64xf32, #tpu.memory_space<vmem>>
      %dma_start3A_288 = arith.constant 0 : i32
      %dma_start3A_289 = tpu.memref_slice %arg2[%squeeze3A_276, %dma_start3A_288] : memref<1000000x64xf32, #tpu.memory_space<hbm>> -> memref<1x64xf32, #tpu.memory_space<hbm>>
      %dma_start3A_290 = arith.constant 0 : i32
      %dma_start3A_291 = arith.constant 0 : i32
      %dma_start3A_292 = tpu.memref_slice %arg6[%dma_start3A_281, %dma_start3A_290, %dma_start3A_291] : memref<2x256x64xf32, #tpu.memory_space<vmem>> -> memref<1x256x64xf32, #tpu.memory_space<vmem>>
      %dma_start3A_293 = tpu.memref_squeeze %dma_start3A_292 : memref<1x256x64xf32, #tpu.memory_space<vmem>> -> memref<256x64xf32, #tpu.memory_space<vmem>>
      %dma_start3A_294 = arith.constant 0 : i32
      %dma_start3A_295 = tpu.memref_slice %dma_start3A_293[%add3A_280, %dma_start3A_294] : memref<256x64xf32, #tpu.memory_space<vmem>> -> memref<1x64xf32, #tpu.memory_space<vmem>>
      %dma_start3A_296 = arith.constant 0 : i32
      %dma_start3A_297 = tpu.memref_slice %arg2[%squeeze3A_276, %dma_start3A_296] : memref<1000000x64xf32, #tpu.memory_space<hbm>> -> memref<1x64xf32, #tpu.memory_space<hbm>>
      tpu.enqueue_dma source(%dma_start3A_297 : memref<1x64xf32, #tpu.memory_space<hbm>>) target(%dma_start3A_295 : memref<1x64xf32, #tpu.memory_space<vmem>>) target_semaphore(%arg7 : memref<!tpu.dma_semaphore, #tpu.memory_space<semaphore_mem>>)
      %slice3A_298 = vector.extract_strided_slice %get3A_47 {offsets = [11], sizes = [1], strides = [1]} : vector<16xi32> to vector<1xi32>
      %squeeze3A_299 = vector.extract %slice3A_298[0] : i32 from vector<1xi32>
      %mul3A_300 = arith.constant 16 : i32
      %mul3A_301 = arith.muli %add3A_41, %mul3A_300 : i32
      %add3A_302 = arith.constant 11 : i32
      %add3A_303 = arith.addi %mul3A_301, %add3A_302 : i32
      %dma_start3A_304 = arith.constant 0 : i32
      %dma_start3A_305 = arith.constant 0 : i32
      %dma_start3A_306 = arith.constant 0 : i32
      %dma_start3A_307 = tpu.memref_slice %arg6[%dma_start3A_304, %dma_start3A_305, %dma_start3A_306] : memref<2x256x64xf32, #tpu.memory_space<vmem>> -> memref<1x256x64xf32, #tpu.memory_space<vmem>>
      %dma_start3A_308 = tpu.memref_squeeze %dma_start3A_307 : memref<1x256x64xf32, #tpu.memory_space<vmem>> -> memref<256x64xf32, #tpu.memory_space<vmem>>
      %dma_start3A_309 = arith.constant 0 : i32
      %dma_start3A_310 = tpu.memref_slice %dma_start3A_308[%add3A_303, %dma_start3A_309] : memref<256x64xf32, #tpu.memory_space<vmem>> -> memref<1x64xf32, #tpu.memory_space<vmem>>
      %dma_start3A_311 = arith.constant 0 : i32
      %dma_start3A_312 = tpu.memref_slice %arg2[%squeeze3A_299, %dma_start3A_311] : memref<1000000x64xf32, #tpu.memory_space<hbm>> -> memref<1x64xf32, #tpu.memory_space<hbm>>
      %dma_start3A_313 = arith.constant 0 : i32
      %dma_start3A_314 = arith.constant 0 : i32
      %dma_start3A_315 = tpu.memref_slice %arg6[%dma_start3A_304, %dma_start3A_313, %dma_start3A_314] : memref<2x256x64xf32, #tpu.memory_space<vmem>> -> memref<1x256x64xf32, #tpu.memory_space<vmem>>
      %dma_start3A_316 = tpu.memref_squeeze %dma_start3A_315 : memref<1x256x64xf32, #tpu.memory_space<vmem>> -> memref<256x64xf32, #tpu.memory_space<vmem>>
      %dma_start3A_317 = arith.constant 0 : i32
      %dma_start3A_318 = tpu.memref_slice %dma_start3A_316[%add3A_303, %dma_start3A_317] : memref<256x64xf32, #tpu.memory_space<vmem>> -> memref<1x64xf32, #tpu.memory_space<vmem>>
      %dma_start3A_319 = arith.constant 0 : i32
      %dma_start3A_320 = tpu.memref_slice %arg2[%squeeze3A_299, %dma_start3A_319] : memref<1000000x64xf32, #tpu.memory_space<hbm>> -> memref<1x64xf32, #tpu.memory_space<hbm>>
      tpu.enqueue_dma source(%dma_start3A_320 : memref<1x64xf32, #tpu.memory_space<hbm>>) target(%dma_start3A_318 : memref<1x64xf32, #tpu.memory_space<vmem>>) target_semaphore(%arg7 : memref<!tpu.dma_semaphore, #tpu.memory_space<semaphore_mem>>)
      %slice3A_321 = vector.extract_strided_slice %get3A_47 {offsets = [12], sizes = [1], strides = [1]} : vector<16xi32> to vector<1xi32>
      %squeeze3A_322 = vector.extract %slice3A_321[0] : i32 from vector<1xi32>
      %mul3A_323 = arith.constant 16 : i32
      %mul3A_324 = arith.muli %add3A_41, %mul3A_323 : i32
      %add3A_325 = arith.constant 12 : i32
      %add3A_326 = arith.addi %mul3A_324, %add3A_325 : i32
      %dma_start3A_327 = arith.constant 0 : i32
      %dma_start3A_328 = arith.constant 0 : i32
      %dma_start3A_329 = arith.constant 0 : i32
      %dma_start3A_330 = tpu.memref_slice %arg6[%dma_start3A_327, %dma_start3A_328, %dma_start3A_329] : memref<2x256x64xf32, #tpu.memory_space<vmem>> -> memref<1x256x64xf32, #tpu.memory_space<vmem>>
      %dma_start3A_331 = tpu.memref_squeeze %dma_start3A_330 : memref<1x256x64xf32, #tpu.memory_space<vmem>> -> memref<256x64xf32, #tpu.memory_space<vmem>>
      %dma_start3A_332 = arith.constant 0 : i32
      %dma_start3A_333 = tpu.memref_slice %dma_start3A_331[%add3A_326, %dma_start3A_332] : memref<256x64xf32, #tpu.memory_space<vmem>> -> memref<1x64xf32, #tpu.memory_space<vmem>>
      %dma_start3A_334 = arith.constant 0 : i32
      %dma_start3A_335 = tpu.memref_slice %arg2[%squeeze3A_322, %dma_start3A_334] : memref<1000000x64xf32, #tpu.memory_space<hbm>> -> memref<1x64xf32, #tpu.memory_space<hbm>>
      %dma_start3A_336 = arith.constant 0 : i32
      %dma_start3A_337 = arith.constant 0 : i32
      %dma_start3A_338 = tpu.memref_slice %arg6[%dma_start3A_327, %dma_start3A_336, %dma_start3A_337] : memref<2x256x64xf32, #tpu.memory_space<vmem>> -> memref<1x256x64xf32, #tpu.memory_space<vmem>>
      %dma_start3A_339 = tpu.memref_squeeze %dma_start3A_338 : memref<1x256x64xf32, #tpu.memory_space<vmem>> -> memref<256x64xf32, #tpu.memory_space<vmem>>
      %dma_start3A_340 = arith.constant 0 : i32
      %dma_start3A_341 = tpu.memref_slice %dma_start3A_339[%add3A_326, %dma_start3A_340] : memref<256x64xf32, #tpu.memory_space<vmem>> -> memref<1x64xf32, #tpu.memory_space<vmem>>
      %dma_start3A_342 = arith.constant 0 : i32
      %dma_start3A_343 = tpu.memref_slice %arg2[%squeeze3A_322, %dma_start3A_342] : memref<1000000x64xf32, #tpu.memory_space<hbm>> -> memref<1x64xf32, #tpu.memory_space<hbm>>
      tpu.enqueue_dma source(%dma_start3A_343 : memref<1x64xf32, #tpu.memory_space<hbm>>) target(%dma_start3A_341 : memref<1x64xf32, #tpu.memory_space<vmem>>) target_semaphore(%arg7 : memref<!tpu.dma_semaphore, #tpu.memory_space<semaphore_mem>>)
      %slice3A_344 = vector.extract_strided_slice %get3A_47 {offsets = [13], sizes = [1], strides = [1]} : vector<16xi32> to vector<1xi32>
      %squeeze3A_345 = vector.extract %slice3A_344[0] : i32 from vector<1xi32>
      %mul3A_346 = arith.constant 16 : i32
      %mul3A_347 = arith.muli %add3A_41, %mul3A_346 : i32
      %add3A_348 = arith.constant 13 : i32
      %add3A_349 = arith.addi %mul3A_347, %add3A_348 : i32
      %dma_start3A_350 = arith.constant 0 : i32
      %dma_start3A_351 = arith.constant 0 : i32
      %dma_start3A_352 = arith.constant 0 : i32
      %dma_start3A_353 = tpu.memref_slice %arg6[%dma_start3A_350, %dma_start3A_351, %dma_start3A_352] : memref<2x256x64xf32, #tpu.memory_space<vmem>> -> memref<1x256x64xf32, #tpu.memory_space<vmem>>
      %dma_start3A_354 = tpu.memref_squeeze %dma_start3A_353 : memref<1x256x64xf32, #tpu.memory_space<vmem>> -> memref<256x64xf32, #tpu.memory_space<vmem>>
      %dma_start3A_355 = arith.constant 0 : i32
      %dma_start3A_356 = tpu.memref_slice %dma_start3A_354[%add3A_349, %dma_start3A_355] : memref<256x64xf32, #tpu.memory_space<vmem>> -> memref<1x64xf32, #tpu.memory_space<vmem>>
      %dma_start3A_357 = arith.constant 0 : i32
      %dma_start3A_358 = tpu.memref_slice %arg2[%squeeze3A_345, %dma_start3A_357] : memref<1000000x64xf32, #tpu.memory_space<hbm>> -> memref<1x64xf32, #tpu.memory_space<hbm>>
      %dma_start3A_359 = arith.constant 0 : i32
      %dma_start3A_360 = arith.constant 0 : i32
      %dma_start3A_361 = tpu.memref_slice %arg6[%dma_start3A_350, %dma_start3A_359, %dma_start3A_360] : memref<2x256x64xf32, #tpu.memory_space<vmem>> -> memref<1x256x64xf32, #tpu.memory_space<vmem>>
      %dma_start3A_362 = tpu.memref_squeeze %dma_start3A_361 : memref<1x256x64xf32, #tpu.memory_space<vmem>> -> memref<256x64xf32, #tpu.memory_space<vmem>>
      %dma_start3A_363 = arith.constant 0 : i32
      %dma_start3A_364 = tpu.memref_slice %dma_start3A_362[%add3A_349, %dma_start3A_363] : memref<256x64xf32, #tpu.memory_space<vmem>> -> memref<1x64xf32, #tpu.memory_space<vmem>>
      %dma_start3A_365 = arith.constant 0 : i32
      %dma_start3A_366 = tpu.memref_slice %arg2[%squeeze3A_345, %dma_start3A_365] : memref<1000000x64xf32, #tpu.memory_space<hbm>> -> memref<1x64xf32, #tpu.memory_space<hbm>>
      tpu.enqueue_dma source(%dma_start3A_366 : memref<1x64xf32, #tpu.memory_space<hbm>>) target(%dma_start3A_364 : memref<1x64xf32, #tpu.memory_space<vmem>>) target_semaphore(%arg7 : memref<!tpu.dma_semaphore, #tpu.memory_space<semaphore_mem>>)
      %slice3A_367 = vector.extract_strided_slice %get3A_47 {offsets = [14], sizes = [1], strides = [1]} : vector<16xi32> to vector<1xi32>
      %squeeze3A_368 = vector.extract %slice3A_367[0] : i32 from vector<1xi32>
      %mul3A_369 = arith.constant 16 : i32
      %mul3A_370 = arith.muli %add3A_41, %mul3A_369 : i32
      %add3A_371 = arith.constant 14 : i32
      %add3A_372 = arith.addi %mul3A_370, %add3A_371 : i32
      %dma_start3A_373 = arith.constant 0 : i32
      %dma_start3A_374 = arith.constant 0 : i32
      %dma_start3A_375 = arith.constant 0 : i32
      %dma_start3A_376 = tpu.memref_slice %arg6[%dma_start3A_373, %dma_start3A_374, %dma_start3A_375] : memref<2x256x64xf32, #tpu.memory_space<vmem>> -> memref<1x256x64xf32, #tpu.memory_space<vmem>>
      %dma_start3A_377 = tpu.memref_squeeze %dma_start3A_376 : memref<1x256x64xf32, #tpu.memory_space<vmem>> -> memref<256x64xf32, #tpu.memory_space<vmem>>
      %dma_start3A_378 = arith.constant 0 : i32
      %dma_start3A_379 = tpu.memref_slice %dma_start3A_377[%add3A_372, %dma_start3A_378] : memref<256x64xf32, #tpu.memory_space<vmem>> -> memref<1x64xf32, #tpu.memory_space<vmem>>
      %dma_start3A_380 = arith.constant 0 : i32
      %dma_start3A_381 = tpu.memref_slice %arg2[%squeeze3A_368, %dma_start3A_380] : memref<1000000x64xf32, #tpu.memory_space<hbm>> -> memref<1x64xf32, #tpu.memory_space<hbm>>
      %dma_start3A_382 = arith.constant 0 : i32
      %dma_start3A_383 = arith.constant 0 : i32
      %dma_start3A_384 = tpu.memref_slice %arg6[%dma_start3A_373, %dma_start3A_382, %dma_start3A_383] : memref<2x256x64xf32, #tpu.memory_space<vmem>> -> memref<1x256x64xf32, #tpu.memory_space<vmem>>
      %dma_start3A_385 = tpu.memref_squeeze %dma_start3A_384 : memref<1x256x64xf32, #tpu.memory_space<vmem>> -> memref<256x64xf32, #tpu.memory_space<vmem>>
      %dma_start3A_386 = arith.constant 0 : i32
      %dma_start3A_387 = tpu.memref_slice %dma_start3A_385[%add3A_372, %dma_start3A_386] : memref<256x64xf32, #tpu.memory_space<vmem>> -> memref<1x64xf32, #tpu.memory_space<vmem>>
      %dma_start3A_388 = arith.constant 0 : i32
      %dma_start3A_389 = tpu.memref_slice %arg2[%squeeze3A_368, %dma_start3A_388] : memref<1000000x64xf32, #tpu.memory_space<hbm>> -> memref<1x64xf32, #tpu.memory_space<hbm>>
      tpu.enqueue_dma source(%dma_start3A_389 : memref<1x64xf32, #tpu.memory_space<hbm>>) target(%dma_start3A_387 : memref<1x64xf32, #tpu.memory_space<vmem>>) target_semaphore(%arg7 : memref<!tpu.dma_semaphore, #tpu.memory_space<semaphore_mem>>)
      %slice3A_390 = vector.extract_strided_slice %get3A_47 {offsets = [15], sizes = [1], strides = [1]} : vector<16xi32> to vector<1xi32>
      %squeeze3A_391 = vector.extract %slice3A_390[0] : i32 from vector<1xi32>
      %mul3A_392 = arith.constant 16 : i32
      %mul3A_393 = arith.muli %add3A_41, %mul3A_392 : i32
      %add3A_394 = arith.constant 15 : i32
      %add3A_395 = arith.addi %mul3A_393, %add3A_394 : i32
      %dma_start3A_396 = arith.constant 0 : i32
      %dma_start3A_397 = arith.constant 0 : i32
      %dma_start3A_398 = arith.constant 0 : i32
      %dma_start3A_399 = tpu.memref_slice %arg6[%dma_start3A_396, %dma_start3A_397, %dma_start3A_398] : memref<2x256x64xf32, #tpu.memory_space<vmem>> -> memref<1x256x64xf32, #tpu.memory_space<vmem>>
      %dma_start3A_400 = tpu.memref_squeeze %dma_start3A_399 : memref<1x256x64xf32, #tpu.memory_space<vmem>> -> memref<256x64xf32, #tpu.memory_space<vmem>>
      %dma_start3A_401 = arith.constant 0 : i32
      %dma_start3A_402 = tpu.memref_slice %dma_start3A_400[%add3A_395, %dma_start3A_401] : memref<256x64xf32, #tpu.memory_space<vmem>> -> memref<1x64xf32, #tpu.memory_space<vmem>>
      %dma_start3A_403 = arith.constant 0 : i32
      %dma_start3A_404 = tpu.memref_slice %arg2[%squeeze3A_391, %dma_start3A_403] : memref<1000000x64xf32, #tpu.memory_space<hbm>> -> memref<1x64xf32, #tpu.memory_space<hbm>>
      %dma_start3A_405 = arith.constant 0 : i32
      %dma_start3A_406 = arith.constant 0 : i32
      %dma_start3A_407 = tpu.memref_slice %arg6[%dma_start3A_396, %dma_start3A_405, %dma_start3A_406] : memref<2x256x64xf32, #tpu.memory_space<vmem>> -> memref<1x256x64xf32, #tpu.memory_space<vmem>>
      %dma_start3A_408 = tpu.memref_squeeze %dma_start3A_407 : memref<1x256x64xf32, #tpu.memory_space<vmem>> -> memref<256x64xf32, #tpu.memory_space<vmem>>
      %dma_start3A_409 = arith.constant 0 : i32
      %dma_start3A_410 = tpu.memref_slice %dma_start3A_408[%add3A_395, %dma_start3A_409] : memref<256x64xf32, #tpu.memory_space<vmem>> -> memref<1x64xf32, #tpu.memory_space<vmem>>
      %dma_start3A_411 = arith.constant 0 : i32
      %dma_start3A_412 = tpu.memref_slice %arg2[%squeeze3A_391, %dma_start3A_411] : memref<1000000x64xf32, #tpu.memory_space<hbm>> -> memref<1x64xf32, #tpu.memory_space<hbm>>
      tpu.enqueue_dma source(%dma_start3A_412 : memref<1x64xf32, #tpu.memory_space<hbm>>) target(%dma_start3A_410 : memref<1x64xf32, #tpu.memory_space<vmem>>) target_semaphore(%arg7 : memref<!tpu.dma_semaphore, #tpu.memory_space<semaphore_mem>>)
    }
    %scan3A_6 = arith.constant 16 : i32
    %scan3A_7 = arith.constant 0 : i32
    %scan3A_8 = arith.constant 50 : i32
    %scan3A_9 = arith.addi %scan3A_7, %scan3A_8 : i32
    %scan3A_10 = arith.constant 1 : i32
    scf.for %scan3A_37 = %scan3A_7 to %scan3A_9 step %scan3A_10  : i32 {
      %mul3A_38 = arith.constant 2 : i32
      %mul3A_39 = arith.muli %scan3A_37, %mul3A_38 : i32
      %add3A_40 = arith.constant 0 : i32
      %add3A_41 = arith.addi %add3A_40, %mul3A_39 : i32
      %dma_wait3A_42 = arith.constant 0 : i32
      %dma_wait3A_43 = arith.constant 0 : i32
      %dma_wait3A_44 = arith.constant 0 : i32
      %dma_wait3A_45 = tpu.memref_slice %arg6[%dma_wait3A_42, %dma_wait3A_43, %dma_wait3A_44] : memref<2x256x64xf32, #tpu.memory_space<vmem>> -> memref<1x256x64xf32, #tpu.memory_space<vmem>>
      %dma_wait3A_46 = tpu.memref_squeeze %dma_wait3A_45 : memref<1x256x64xf32, #tpu.memory_space<vmem>> -> memref<256x64xf32, #tpu.memory_space<vmem>>
      %dma_wait3A_47 = arith.constant 0 : i32
      %dma_wait3A_48 = arith.constant 0 : i32
      %dma_wait3A_49 = tpu.memref_slice %arg2[%dma_wait3A_47, %dma_wait3A_48] : memref<1000000x64xf32, #tpu.memory_space<hbm>> -> memref<256x64xf32, #tpu.memory_space<hbm>>
      %dma_wait3A_50 = arith.constant 0 : i32
      %dma_wait3A_51 = arith.constant 0 : i32
      %dma_wait3A_52 = tpu.memref_slice %arg6[%dma_wait3A_42, %dma_wait3A_50, %dma_wait3A_51] : memref<2x256x64xf32, #tpu.memory_space<vmem>> -> memref<1x256x64xf32, #tpu.memory_space<vmem>>
      %dma_wait3A_53 = tpu.memref_squeeze %dma_wait3A_52 : memref<1x256x64xf32, #tpu.memory_space<vmem>> -> memref<256x64xf32, #tpu.memory_space<vmem>>
      %dma_wait3A_54 = arith.constant 0 : i32
      %dma_wait3A_55 = arith.constant 0 : i32
      %dma_wait3A_56 = tpu.memref_slice %arg2[%dma_wait3A_54, %dma_wait3A_55] : memref<1000000x64xf32, #tpu.memory_space<hbm>> -> memref<256x64xf32, #tpu.memory_space<hbm>>
      tpu.wait_dma2 semaphore(%arg7 : memref<!tpu.dma_semaphore, #tpu.memory_space<semaphore_mem>>) src(%dma_wait3A_56 : memref<256x64xf32, #tpu.memory_space<hbm>>) dst(%dma_wait3A_53 : memref<256x64xf32, #tpu.memory_space<vmem>>)
      %mul3A_57 = arith.constant 256 : i32
      %mul3A_58 = arith.muli %add3A_41, %mul3A_57 : i32
      %add3A_59 = arith.addi %mul3A_2, %mul3A_58 : i32
      %dma_start3A = arith.constant 0 : i32
      %dma_start3A_60 = arith.constant 0 : i32
      %dma_start3A_61 = arith.constant 0 : i32
      %dma_start3A_62 = tpu.memref_slice %arg6[%dma_start3A, %dma_start3A_60, %dma_start3A_61] : memref<2x256x64xf32, #tpu.memory_space<vmem>> -> memref<1x256x64xf32, #tpu.memory_space<vmem>>
      %dma_start3A_63 = tpu.memref_squeeze %dma_start3A_62 : memref<1x256x64xf32, #tpu.memory_space<vmem>> -> memref<256x64xf32, #tpu.memory_space<vmem>>
      %dma_start3A_64 = arith.constant 0 : i32
      %dma_start3A_65 = tpu.memref_slice %arg4[%add3A_59, %dma_start3A_64] : memref<819200x64xf32, #tpu.memory_space<hbm>> -> memref<256x64xf32, #tpu.memory_space<hbm>>
      %dma_start3A_66 = arith.constant 0 : i32
      %dma_start3A_67 = tpu.memref_slice %arg4[%add3A_59, %dma_start3A_66] : memref<819200x64xf32, #tpu.memory_space<hbm>> -> memref<256x64xf32, #tpu.memory_space<hbm>>
      %dma_start3A_68 = arith.constant 0 : i32
      %dma_start3A_69 = arith.constant 0 : i32
      %dma_start3A_70 = tpu.memref_slice %arg6[%dma_start3A, %dma_start3A_68, %dma_start3A_69] : memref<2x256x64xf32, #tpu.memory_space<vmem>> -> memref<1x256x64xf32, #tpu.memory_space<vmem>>
      %dma_start3A_71 = tpu.memref_squeeze %dma_start3A_70 : memref<1x256x64xf32, #tpu.memory_space<vmem>> -> memref<256x64xf32, #tpu.memory_space<vmem>>
      tpu.enqueue_dma source(%dma_start3A_71 : memref<256x64xf32, #tpu.memory_space<vmem>>) target(%dma_start3A_67 : memref<256x64xf32, #tpu.memory_space<hbm>>) target_semaphore(%arg9 : memref<!tpu.dma_semaphore, #tpu.memory_space<semaphore_mem>>)
      %gt3A = arith.constant 0 : i32
      %gt3A_72 = arith.cmpi sgt, %add3A_41, %gt3A : i32
      %convert_element_type3A = arith.extui %gt3A_72 : i1 to i32
      %cond3A = arith.constant 0 : i32
      %cond3A_73 = arith.cmpi ne, %convert_element_type3A, %cond3A : i32
      scf.if %cond3A_73 {
        %dma_wait3A_122 = arith.constant 1 : i32
        %dma_wait3A_123 = arith.constant 0 : i32
        %dma_wait3A_124 = arith.constant 0 : i32
        %dma_wait3A_125 = tpu.memref_slice %arg6[%dma_wait3A_122, %dma_wait3A_123, %dma_wait3A_124] : memref<2x256x64xf32, #tpu.memory_space<vmem>> -> memref<1x256x64xf32, #tpu.memory_space<vmem>>
        %dma_wait3A_126 = tpu.memref_squeeze %dma_wait3A_125 : memref<1x256x64xf32, #tpu.memory_space<vmem>> -> memref<256x64xf32, #tpu.memory_space<vmem>>
        %dma_wait3A_127 = arith.constant 0 : i32
        %dma_wait3A_128 = tpu.memref_slice %arg4[%mul3A_2, %dma_wait3A_127] : memref<819200x64xf32, #tpu.memory_space<hbm>> -> memref<256x64xf32, #tpu.memory_space<hbm>>
        %dma_wait3A_129 = arith.constant 0 : i32
        %dma_wait3A_130 = tpu.memref_slice %arg4[%mul3A_2, %dma_wait3A_129] : memref<819200x64xf32, #tpu.memory_space<hbm>> -> memref<256x64xf32, #tpu.memory_space<hbm>>
        %dma_wait3A_131 = arith.constant 0 : i32
        %dma_wait3A_132 = arith.constant 0 : i32
        %dma_wait3A_133 = tpu.memref_slice %arg6[%dma_wait3A_122, %dma_wait3A_131, %dma_wait3A_132] : memref<2x256x64xf32, #tpu.memory_space<vmem>> -> memref<1x256x64xf32, #tpu.memory_space<vmem>>
        %dma_wait3A_134 = tpu.memref_squeeze %dma_wait3A_133 : memref<1x256x64xf32, #tpu.memory_space<vmem>> -> memref<256x64xf32, #tpu.memory_space<vmem>>
        tpu.wait_dma2 semaphore(%arg10 : memref<!tpu.dma_semaphore, #tpu.memory_space<semaphore_mem>>) src(%dma_wait3A_134 : memref<256x64xf32, #tpu.memory_space<vmem>>) dst(%dma_wait3A_130 : memref<256x64xf32, #tpu.memory_space<hbm>>)
      } else {
      }
      %add3A_74 = arith.constant 1 : i32
      %add3A_75 = arith.addi %add3A_41, %add3A_74 : i32
      %mul3A_76 = arith.constant 256 : i32
      %mul3A_77 = arith.muli %add3A_75, %mul3A_76 : i32
      %scan3A_78 = arith.constant 0 : i32
      %scan3A_79 = arith.constant 16 : i32
      %scan3A_80 = arith.addi %scan3A_78, %scan3A_79 : i32
      %scan3A_81 = arith.constant 1 : i32
      scf.for %scan3A_122 = %scan3A_78 to %scan3A_80 step %scan3A_81  : i32 {
        %mul3A_123 = arith.constant 1 : i32
        %mul3A_124 = arith.muli %scan3A_122, %mul3A_123 : i32
        %add3A_125 = arith.constant 0 : i32
        %add3A_126 = arith.addi %add3A_125, %mul3A_124 : i32
        %mul3A_127 = arith.constant 16 : i32
        %mul3A_128 = arith.muli %add3A_126, %mul3A_127 : i32
        %add3A_129 = arith.addi %mul3A_77, %mul3A_128 : i32
        %get3A = arith.index_cast %add3A_129 : i32 to index
        %get3A_130 = tpu.vector_load %arg5[%get3A] {strides = array<i32>} : memref<25600xi32, #tpu.memory_space<vmem>>, vector<16xi32>,
        %get3A_131 = vector.shape_cast %get3A_130 : vector<16xi32> to vector<16xi32>
        %slice3A = vector.extract_strided_slice %get3A_131 {offsets = [0], sizes = [1], strides = [1]} : vector<16xi32> to vector<1xi32>
        %squeeze3A = vector.extract %slice3A[0] : i32 from vector<1xi32>
        %mul3A_132 = arith.constant 16 : i32
        %mul3A_133 = arith.muli %add3A_126, %mul3A_132 : i32
        %add3A_134 = arith.constant 0 : i32
        %add3A_135 = arith.addi %mul3A_133, %add3A_134 : i32
        %dma_start3A_136 = arith.constant 1 : i32
        %dma_start3A_137 = arith.constant 0 : i32
        %dma_start3A_138 = arith.constant 0 : i32
        %dma_start3A_139 = tpu.memref_slice %arg6[%dma_start3A_136, %dma_start3A_137, %dma_start3A_138] : memref<2x256x64xf32, #tpu.memory_space<vmem>> -> memref<1x256x64xf32, #tpu.memory_space<vmem>>
        %dma_start3A_140 = tpu.memref_squeeze %dma_start3A_139 : memref<1x256x64xf32, #tpu.memory_space<vmem>> -> memref<256x64xf32, #tpu.memory_space<vmem>>
        %dma_start3A_141 = arith.constant 0 : i32
        %dma_start3A_142 = tpu.memref_slice %dma_start3A_140[%add3A_135, %dma_start3A_141] : memref<256x64xf32, #tpu.memory_space<vmem>> -> memref<1x64xf32, #tpu.memory_space<vmem>>
        %dma_start3A_143 = arith.constant 0 : i32
        %dma_start3A_144 = tpu.memref_slice %arg2[%squeeze3A, %dma_start3A_143] : memref<1000000x64xf32, #tpu.memory_space<hbm>> -> memref<1x64xf32, #tpu.memory_space<hbm>>
        %dma_start3A_145 = arith.constant 0 : i32
        %dma_start3A_146 = arith.constant 0 : i32
        %dma_start3A_147 = tpu.memref_slice %arg6[%dma_start3A_136, %dma_start3A_145, %dma_start3A_146] : memref<2x256x64xf32, #tpu.memory_space<vmem>> -> memref<1x256x64xf32, #tpu.memory_space<vmem>>
        %dma_start3A_148 = tpu.memref_squeeze %dma_start3A_147 : memref<1x256x64xf32, #tpu.memory_space<vmem>> -> memref<256x64xf32, #tpu.memory_space<vmem>>
        %dma_start3A_149 = arith.constant 0 : i32
        %dma_start3A_150 = tpu.memref_slice %dma_start3A_148[%add3A_135, %dma_start3A_149] : memref<256x64xf32, #tpu.memory_space<vmem>> -> memref<1x64xf32, #tpu.memory_space<vmem>>
        %dma_start3A_151 = arith.constant 0 : i32
        %dma_start3A_152 = tpu.memref_slice %arg2[%squeeze3A, %dma_start3A_151] : memref<1000000x64xf32, #tpu.memory_space<hbm>> -> memref<1x64xf32, #tpu.memory_space<hbm>>
        tpu.enqueue_dma source(%dma_start3A_152 : memref<1x64xf32, #tpu.memory_space<hbm>>) target(%dma_start3A_150 : memref<1x64xf32, #tpu.memory_space<vmem>>) target_semaphore(%arg8 : memref<!tpu.dma_semaphore, #tpu.memory_space<semaphore_mem>>)
        %slice3A_153 = vector.extract_strided_slice %get3A_131 {offsets = [1], sizes = [1], strides = [1]} : vector<16xi32> to vector<1xi32>
        %squeeze3A_154 = vector.extract %slice3A_153[0] : i32 from vector<1xi32>
        %mul3A_155 = arith.constant 16 : i32
        %mul3A_156 = arith.muli %add3A_126, %mul3A_155 : i32
        %add3A_157 = arith.constant 1 : i32
        %add3A_158 = arith.addi %mul3A_156, %add3A_157 : i32
        %dma_start3A_159 = arith.constant 1 : i32
        %dma_start3A_160 = arith.constant 0 : i32
        %dma_start3A_161 = arith.constant 0 : i32
        %dma_start3A_162 = tpu.memref_slice %arg6[%dma_start3A_159, %dma_start3A_160, %dma_start3A_161] : memref<2x256x64xf32, #tpu.memory_space<vmem>> -> memref<1x256x64xf32, #tpu.memory_space<vmem>>
        %dma_start3A_163 = tpu.memref_squeeze %dma_start3A_162 : memref<1x256x64xf32, #tpu.memory_space<vmem>> -> memref<256x64xf32, #tpu.memory_space<vmem>>
        %dma_start3A_164 = arith.constant 0 : i32
        %dma_start3A_165 = tpu.memref_slice %dma_start3A_163[%add3A_158, %dma_start3A_164] : memref<256x64xf32, #tpu.memory_space<vmem>> -> memref<1x64xf32, #tpu.memory_space<vmem>>
        %dma_start3A_166 = arith.constant 0 : i32
        %dma_start3A_167 = tpu.memref_slice %arg2[%squeeze3A_154, %dma_start3A_166] : memref<1000000x64xf32, #tpu.memory_space<hbm>> -> memref<1x64xf32, #tpu.memory_space<hbm>>
        %dma_start3A_168 = arith.constant 0 : i32
        %dma_start3A_169 = arith.constant 0 : i32
        %dma_start3A_170 = tpu.memref_slice %arg6[%dma_start3A_159, %dma_start3A_168, %dma_start3A_169] : memref<2x256x64xf32, #tpu.memory_space<vmem>> -> memref<1x256x64xf32, #tpu.memory_space<vmem>>
        %dma_start3A_171 = tpu.memref_squeeze %dma_start3A_170 : memref<1x256x64xf32, #tpu.memory_space<vmem>> -> memref<256x64xf32, #tpu.memory_space<vmem>>
        %dma_start3A_172 = arith.constant 0 : i32
        %dma_start3A_173 = tpu.memref_slice %dma_start3A_171[%add3A_158, %dma_start3A_172] : memref<256x64xf32, #tpu.memory_space<vmem>> -> memref<1x64xf32, #tpu.memory_space<vmem>>
        %dma_start3A_174 = arith.constant 0 : i32
        %dma_start3A_175 = tpu.memref_slice %arg2[%squeeze3A_154, %dma_start3A_174] : memref<1000000x64xf32, #tpu.memory_space<hbm>> -> memref<1x64xf32, #tpu.memory_space<hbm>>
        tpu.enqueue_dma source(%dma_start3A_175 : memref<1x64xf32, #tpu.memory_space<hbm>>) target(%dma_start3A_173 : memref<1x64xf32, #tpu.memory_space<vmem>>) target_semaphore(%arg8 : memref<!tpu.dma_semaphore, #tpu.memory_space<semaphore_mem>>)
        %slice3A_176 = vector.extract_strided_slice %get3A_131 {offsets = [2], sizes = [1], strides = [1]} : vector<16xi32> to vector<1xi32>
        %squeeze3A_177 = vector.extract %slice3A_176[0] : i32 from vector<1xi32>
        %mul3A_178 = arith.constant 16 : i32
        %mul3A_179 = arith.muli %add3A_126, %mul3A_178 : i32
        %add3A_180 = arith.constant 2 : i32
        %add3A_181 = arith.addi %mul3A_179, %add3A_180 : i32
        %dma_start3A_182 = arith.constant 1 : i32
        %dma_start3A_183 = arith.constant 0 : i32
        %dma_start3A_184 = arith.constant 0 : i32
        %dma_start3A_185 = tpu.memref_slice %arg6[%dma_start3A_182, %dma_start3A_183, %dma_start3A_184] : memref<2x256x64xf32, #tpu.memory_space<vmem>> -> memref<1x256x64xf32, #tpu.memory_space<vmem>>
        %dma_start3A_186 = tpu.memref_squeeze %dma_start3A_185 : memref<1x256x64xf32, #tpu.memory_space<vmem>> -> memref<256x64xf32, #tpu.memory_space<vmem>>
        %dma_start3A_187 = arith.constant 0 : i32
        %dma_start3A_188 = tpu.memref_slice %dma_start3A_186[%add3A_181, %dma_start3A_187] : memref<256x64xf32, #tpu.memory_space<vmem>> -> memref<1x64xf32, #tpu.memory_space<vmem>>
        %dma_start3A_189 = arith.constant 0 : i32
        %dma_start3A_190 = tpu.memref_slice %arg2[%squeeze3A_177, %dma_start3A_189] : memref<1000000x64xf32, #tpu.memory_space<hbm>> -> memref<1x64xf32, #tpu.memory_space<hbm>>
        %dma_start3A_191 = arith.constant 0 : i32
        %dma_start3A_192 = arith.constant 0 : i32
        %dma_start3A_193 = tpu.memref_slice %arg6[%dma_start3A_182, %dma_start3A_191, %dma_start3A_192] : memref<2x256x64xf32, #tpu.memory_space<vmem>> -> memref<1x256x64xf32, #tpu.memory_space<vmem>>
        %dma_start3A_194 = tpu.memref_squeeze %dma_start3A_193 : memref<1x256x64xf32, #tpu.memory_space<vmem>> -> memref<256x64xf32, #tpu.memory_space<vmem>>
        %dma_start3A_195 = arith.constant 0 : i32
        %dma_start3A_196 = tpu.memref_slice %dma_start3A_194[%add3A_181, %dma_start3A_195] : memref<256x64xf32, #tpu.memory_space<vmem>> -> memref<1x64xf32, #tpu.memory_space<vmem>>
        %dma_start3A_197 = arith.constant 0 : i32
        %dma_start3A_198 = tpu.memref_slice %arg2[%squeeze3A_177, %dma_start3A_197] : memref<1000000x64xf32, #tpu.memory_space<hbm>> -> memref<1x64xf32, #tpu.memory_space<hbm>>
        tpu.enqueue_dma source(%dma_start3A_198 : memref<1x64xf32, #tpu.memory_space<hbm>>) target(%dma_start3A_196 : memref<1x64xf32, #tpu.memory_space<vmem>>) target_semaphore(%arg8 : memref<!tpu.dma_semaphore, #tpu.memory_space<semaphore_mem>>)
        %slice3A_199 = vector.extract_strided_slice %get3A_131 {offsets = [3], sizes = [1], strides = [1]} : vector<16xi32> to vector<1xi32>
        %squeeze3A_200 = vector.extract %slice3A_199[0] : i32 from vector<1xi32>
        %mul3A_201 = arith.constant 16 : i32
        %mul3A_202 = arith.muli %add3A_126, %mul3A_201 : i32
        %add3A_203 = arith.constant 3 : i32
        %add3A_204 = arith.addi %mul3A_202, %add3A_203 : i32
        %dma_start3A_205 = arith.constant 1 : i32
        %dma_start3A_206 = arith.constant 0 : i32
        %dma_start3A_207 = arith.constant 0 : i32
        %dma_start3A_208 = tpu.memref_slice %arg6[%dma_start3A_205, %dma_start3A_206, %dma_start3A_207] : memref<2x256x64xf32, #tpu.memory_space<vmem>> -> memref<1x256x64xf32, #tpu.memory_space<vmem>>
        %dma_start3A_209 = tpu.memref_squeeze %dma_start3A_208 : memref<1x256x64xf32, #tpu.memory_space<vmem>> -> memref<256x64xf32, #tpu.memory_space<vmem>>
        %dma_start3A_210 = arith.constant 0 : i32
        %dma_start3A_211 = tpu.memref_slice %dma_start3A_209[%add3A_204, %dma_start3A_210] : memref<256x64xf32, #tpu.memory_space<vmem>> -> memref<1x64xf32, #tpu.memory_space<vmem>>
        %dma_start3A_212 = arith.constant 0 : i32
        %dma_start3A_213 = tpu.memref_slice %arg2[%squeeze3A_200, %dma_start3A_212] : memref<1000000x64xf32, #tpu.memory_space<hbm>> -> memref<1x64xf32, #tpu.memory_space<hbm>>
        %dma_start3A_214 = arith.constant 0 : i32
        %dma_start3A_215 = arith.constant 0 : i32
        %dma_start3A_216 = tpu.memref_slice %arg6[%dma_start3A_205, %dma_start3A_214, %dma_start3A_215] : memref<2x256x64xf32, #tpu.memory_space<vmem>> -> memref<1x256x64xf32, #tpu.memory_space<vmem>>
        %dma_start3A_217 = tpu.memref_squeeze %dma_start3A_216 : memref<1x256x64xf32, #tpu.memory_space<vmem>> -> memref<256x64xf32, #tpu.memory_space<vmem>>
        %dma_start3A_218 = arith.constant 0 : i32
        %dma_start3A_219 = tpu.memref_slice %dma_start3A_217[%add3A_204, %dma_start3A_218] : memref<256x64xf32, #tpu.memory_space<vmem>> -> memref<1x64xf32, #tpu.memory_space<vmem>>
        %dma_start3A_220 = arith.constant 0 : i32
        %dma_start3A_221 = tpu.memref_slice %arg2[%squeeze3A_200, %dma_start3A_220] : memref<1000000x64xf32, #tpu.memory_space<hbm>> -> memref<1x64xf32, #tpu.memory_space<hbm>>
        tpu.enqueue_dma source(%dma_start3A_221 : memref<1x64xf32, #tpu.memory_space<hbm>>) target(%dma_start3A_219 : memref<1x64xf32, #tpu.memory_space<vmem>>) target_semaphore(%arg8 : memref<!tpu.dma_semaphore, #tpu.memory_space<semaphore_mem>>)
        %slice3A_222 = vector.extract_strided_slice %get3A_131 {offsets = [4], sizes = [1], strides = [1]} : vector<16xi32> to vector<1xi32>
        %squeeze3A_223 = vector.extract %slice3A_222[0] : i32 from vector<1xi32>
        %mul3A_224 = arith.constant 16 : i32
        %mul3A_225 = arith.muli %add3A_126, %mul3A_224 : i32
        %add3A_226 = arith.constant 4 : i32
        %add3A_227 = arith.addi %mul3A_225, %add3A_226 : i32
        %dma_start3A_228 = arith.constant 1 : i32
        %dma_start3A_229 = arith.constant 0 : i32
        %dma_start3A_230 = arith.constant 0 : i32
        %dma_start3A_231 = tpu.memref_slice %arg6[%dma_start3A_228, %dma_start3A_229, %dma_start3A_230] : memref<2x256x64xf32, #tpu.memory_space<vmem>> -> memref<1x256x64xf32, #tpu.memory_space<vmem>>
        %dma_start3A_232 = tpu.memref_squeeze %dma_start3A_231 : memref<1x256x64xf32, #tpu.memory_space<vmem>> -> memref<256x64xf32, #tpu.memory_space<vmem>>
        %dma_start3A_233 = arith.constant 0 : i32
        %dma_start3A_234 = tpu.memref_slice %dma_start3A_232[%add3A_227, %dma_start3A_233] : memref<256x64xf32, #tpu.memory_space<vmem>> -> memref<1x64xf32, #tpu.memory_space<vmem>>
        %dma_start3A_235 = arith.constant 0 : i32
        %dma_start3A_236 = tpu.memref_slice %arg2[%squeeze3A_223, %dma_start3A_235] : memref<1000000x64xf32, #tpu.memory_space<hbm>> -> memref<1x64xf32, #tpu.memory_space<hbm>>
        %dma_start3A_237 = arith.constant 0 : i32
        %dma_start3A_238 = arith.constant 0 : i32
        %dma_start3A_239 = tpu.memref_slice %arg6[%dma_start3A_228, %dma_start3A_237, %dma_start3A_238] : memref<2x256x64xf32, #tpu.memory_space<vmem>> -> memref<1x256x64xf32, #tpu.memory_space<vmem>>
        %dma_start3A_240 = tpu.memref_squeeze %dma_start3A_239 : memref<1x256x64xf32, #tpu.memory_space<vmem>> -> memref<256x64xf32, #tpu.memory_space<vmem>>
        %dma_start3A_241 = arith.constant 0 : i32
        %dma_start3A_242 = tpu.memref_slice %dma_start3A_240[%add3A_227, %dma_start3A_241] : memref<256x64xf32, #tpu.memory_space<vmem>> -> memref<1x64xf32, #tpu.memory_space<vmem>>
        %dma_start3A_243 = arith.constant 0 : i32
        %dma_start3A_244 = tpu.memref_slice %arg2[%squeeze3A_223, %dma_start3A_243] : memref<1000000x64xf32, #tpu.memory_space<hbm>> -> memref<1x64xf32, #tpu.memory_space<hbm>>
        tpu.enqueue_dma source(%dma_start3A_244 : memref<1x64xf32, #tpu.memory_space<hbm>>) target(%dma_start3A_242 : memref<1x64xf32, #tpu.memory_space<vmem>>) target_semaphore(%arg8 : memref<!tpu.dma_semaphore, #tpu.memory_space<semaphore_mem>>)
        %slice3A_245 = vector.extract_strided_slice %get3A_131 {offsets = [5], sizes = [1], strides = [1]} : vector<16xi32> to vector<1xi32>
        %squeeze3A_246 = vector.extract %slice3A_245[0] : i32 from vector<1xi32>
        %mul3A_247 = arith.constant 16 : i32
        %mul3A_248 = arith.muli %add3A_126, %mul3A_247 : i32
        %add3A_249 = arith.constant 5 : i32
        %add3A_250 = arith.addi %mul3A_248, %add3A_249 : i32
        %dma_start3A_251 = arith.constant 1 : i32
        %dma_start3A_252 = arith.constant 0 : i32
        %dma_start3A_253 = arith.constant 0 : i32
        %dma_start3A_254 = tpu.memref_slice %arg6[%dma_start3A_251, %dma_start3A_252, %dma_start3A_253] : memref<2x256x64xf32, #tpu.memory_space<vmem>> -> memref<1x256x64xf32, #tpu.memory_space<vmem>>
        %dma_start3A_255 = tpu.memref_squeeze %dma_start3A_254 : memref<1x256x64xf32, #tpu.memory_space<vmem>> -> memref<256x64xf32, #tpu.memory_space<vmem>>
        %dma_start3A_256 = arith.constant 0 : i32
        %dma_start3A_257 = tpu.memref_slice %dma_start3A_255[%add3A_250, %dma_start3A_256] : memref<256x64xf32, #tpu.memory_space<vmem>> -> memref<1x64xf32, #tpu.memory_space<vmem>>
        %dma_start3A_258 = arith.constant 0 : i32
        %dma_start3A_259 = tpu.memref_slice %arg2[%squeeze3A_246, %dma_start3A_258] : memref<1000000x64xf32, #tpu.memory_space<hbm>> -> memref<1x64xf32, #tpu.memory_space<hbm>>
        %dma_start3A_260 = arith.constant 0 : i32
        %dma_start3A_261 = arith.constant 0 : i32
        %dma_start3A_262 = tpu.memref_slice %arg6[%dma_start3A_251, %dma_start3A_260, %dma_start3A_261] : memref<2x256x64xf32, #tpu.memory_space<vmem>> -> memref<1x256x64xf32, #tpu.memory_space<vmem>>
        %dma_start3A_263 = tpu.memref_squeeze %dma_start3A_262 : memref<1x256x64xf32, #tpu.memory_space<vmem>> -> memref<256x64xf32, #tpu.memory_space<vmem>>
        %dma_start3A_264 = arith.constant 0 : i32
        %dma_start3A_265 = tpu.memref_slice %dma_start3A_263[%add3A_250, %dma_start3A_264] : memref<256x64xf32, #tpu.memory_space<vmem>> -> memref<1x64xf32, #tpu.memory_space<vmem>>
        %dma_start3A_266 = arith.constant 0 : i32
        %dma_start3A_267 = tpu.memref_slice %arg2[%squeeze3A_246, %dma_start3A_266] : memref<1000000x64xf32, #tpu.memory_space<hbm>> -> memref<1x64xf32, #tpu.memory_space<hbm>>
        tpu.enqueue_dma source(%dma_start3A_267 : memref<1x64xf32, #tpu.memory_space<hbm>>) target(%dma_start3A_265 : memref<1x64xf32, #tpu.memory_space<vmem>>) target_semaphore(%arg8 : memref<!tpu.dma_semaphore, #tpu.memory_space<semaphore_mem>>)
        %slice3A_268 = vector.extract_strided_slice %get3A_131 {offsets = [6], sizes = [1], strides = [1]} : vector<16xi32> to vector<1xi32>
        %squeeze3A_269 = vector.extract %slice3A_268[0] : i32 from vector<1xi32>
        %mul3A_270 = arith.constant 16 : i32
        %mul3A_271 = arith.muli %add3A_126, %mul3A_270 : i32
        %add3A_272 = arith.constant 6 : i32
        %add3A_273 = arith.addi %mul3A_271, %add3A_272 : i32
        %dma_start3A_274 = arith.constant 1 : i32
        %dma_start3A_275 = arith.constant 0 : i32
        %dma_start3A_276 = arith.constant 0 : i32
        %dma_start3A_277 = tpu.memref_slice %arg6[%dma_start3A_274, %dma_start3A_275, %dma_start3A_276] : memref<2x256x64xf32, #tpu.memory_space<vmem>> -> memref<1x256x64xf32, #tpu.memory_space<vmem>>
        %dma_start3A_278 = tpu.memref_squeeze %dma_start3A_277 : memref<1x256x64xf32, #tpu.memory_space<vmem>> -> memref<256x64xf32, #tpu.memory_space<vmem>>
        %dma_start3A_279 = arith.constant 0 : i32
        %dma_start3A_280 = tpu.memref_slice %dma_start3A_278[%add3A_273, %dma_start3A_279] : memref<256x64xf32, #tpu.memory_space<vmem>> -> memref<1x64xf32, #tpu.memory_space<vmem>>
        %dma_start3A_281 = arith.constant 0 : i32
        %dma_start3A_282 = tpu.memref_slice %arg2[%squeeze3A_269, %dma_start3A_281] : memref<1000000x64xf32, #tpu.memory_space<hbm>> -> memref<1x64xf32, #tpu.memory_space<hbm>>
        %dma_start3A_283 = arith.constant 0 : i32
        %dma_start3A_284 = arith.constant 0 : i32
        %dma_start3A_285 = tpu.memref_slice %arg6[%dma_start3A_274, %dma_start3A_283, %dma_start3A_284] : memref<2x256x64xf32, #tpu.memory_space<vmem>> -> memref<1x256x64xf32, #tpu.memory_space<vmem>>
        %dma_start3A_286 = tpu.memref_squeeze %dma_start3A_285 : memref<1x256x64xf32, #tpu.memory_space<vmem>> -> memref<256x64xf32, #tpu.memory_space<vmem>>
        %dma_start3A_287 = arith.constant 0 : i32
        %dma_start3A_288 = tpu.memref_slice %dma_start3A_286[%add3A_273, %dma_start3A_287] : memref<256x64xf32, #tpu.memory_space<vmem>> -> memref<1x64xf32, #tpu.memory_space<vmem>>
        %dma_start3A_289 = arith.constant 0 : i32
        %dma_start3A_290 = tpu.memref_slice %arg2[%squeeze3A_269, %dma_start3A_289] : memref<1000000x64xf32, #tpu.memory_space<hbm>> -> memref<1x64xf32, #tpu.memory_space<hbm>>
        tpu.enqueue_dma source(%dma_start3A_290 : memref<1x64xf32, #tpu.memory_space<hbm>>) target(%dma_start3A_288 : memref<1x64xf32, #tpu.memory_space<vmem>>) target_semaphore(%arg8 : memref<!tpu.dma_semaphore, #tpu.memory_space<semaphore_mem>>)
        %slice3A_291 = vector.extract_strided_slice %get3A_131 {offsets = [7], sizes = [1], strides = [1]} : vector<16xi32> to vector<1xi32>
        %squeeze3A_292 = vector.extract %slice3A_291[0] : i32 from vector<1xi32>
        %mul3A_293 = arith.constant 16 : i32
        %mul3A_294 = arith.muli %add3A_126, %mul3A_293 : i32
        %add3A_295 = arith.constant 7 : i32
        %add3A_296 = arith.addi %mul3A_294, %add3A_295 : i32
        %dma_start3A_297 = arith.constant 1 : i32
        %dma_start3A_298 = arith.constant 0 : i32
        %dma_start3A_299 = arith.constant 0 : i32
        %dma_start3A_300 = tpu.memref_slice %arg6[%dma_start3A_297, %dma_start3A_298, %dma_start3A_299] : memref<2x256x64xf32, #tpu.memory_space<vmem>> -> memref<1x256x64xf32, #tpu.memory_space<vmem>>
        %dma_start3A_301 = tpu.memref_squeeze %dma_start3A_300 : memref<1x256x64xf32, #tpu.memory_space<vmem>> -> memref<256x64xf32, #tpu.memory_space<vmem>>
        %dma_start3A_302 = arith.constant 0 : i32
        %dma_start3A_303 = tpu.memref_slice %dma_start3A_301[%add3A_296, %dma_start3A_302] : memref<256x64xf32, #tpu.memory_space<vmem>> -> memref<1x64xf32, #tpu.memory_space<vmem>>
        %dma_start3A_304 = arith.constant 0 : i32
        %dma_start3A_305 = tpu.memref_slice %arg2[%squeeze3A_292, %dma_start3A_304] : memref<1000000x64xf32, #tpu.memory_space<hbm>> -> memref<1x64xf32, #tpu.memory_space<hbm>>
        %dma_start3A_306 = arith.constant 0 : i32
        %dma_start3A_307 = arith.constant 0 : i32
        %dma_start3A_308 = tpu.memref_slice %arg6[%dma_start3A_297, %dma_start3A_306, %dma_start3A_307] : memref<2x256x64xf32, #tpu.memory_space<vmem>> -> memref<1x256x64xf32, #tpu.memory_space<vmem>>
        %dma_start3A_309 = tpu.memref_squeeze %dma_start3A_308 : memref<1x256x64xf32, #tpu.memory_space<vmem>> -> memref<256x64xf32, #tpu.memory_space<vmem>>
        %dma_start3A_310 = arith.constant 0 : i32
        %dma_start3A_311 = tpu.memref_slice %dma_start3A_309[%add3A_296, %dma_start3A_310] : memref<256x64xf32, #tpu.memory_space<vmem>> -> memref<1x64xf32, #tpu.memory_space<vmem>>
        %dma_start3A_312 = arith.constant 0 : i32
        %dma_start3A_313 = tpu.memref_slice %arg2[%squeeze3A_292, %dma_start3A_312] : memref<1000000x64xf32, #tpu.memory_space<hbm>> -> memref<1x64xf32, #tpu.memory_space<hbm>>
        tpu.enqueue_dma source(%dma_start3A_313 : memref<1x64xf32, #tpu.memory_space<hbm>>) target(%dma_start3A_311 : memref<1x64xf32, #tpu.memory_space<vmem>>) target_semaphore(%arg8 : memref<!tpu.dma_semaphore, #tpu.memory_space<semaphore_mem>>)
        %slice3A_314 = vector.extract_strided_slice %get3A_131 {offsets = [8], sizes = [1], strides = [1]} : vector<16xi32> to vector<1xi32>
        %squeeze3A_315 = vector.extract %slice3A_314[0] : i32 from vector<1xi32>
        %mul3A_316 = arith.constant 16 : i32
        %mul3A_317 = arith.muli %add3A_126, %mul3A_316 : i32
        %add3A_318 = arith.constant 8 : i32
        %add3A_319 = arith.addi %mul3A_317, %add3A_318 : i32
        %dma_start3A_320 = arith.constant 1 : i32
        %dma_start3A_321 = arith.constant 0 : i32
        %dma_start3A_322 = arith.constant 0 : i32
        %dma_start3A_323 = tpu.memref_slice %arg6[%dma_start3A_320, %dma_start3A_321, %dma_start3A_322] : memref<2x256x64xf32, #tpu.memory_space<vmem>> -> memref<1x256x64xf32, #tpu.memory_space<vmem>>
        %dma_start3A_324 = tpu.memref_squeeze %dma_start3A_323 : memref<1x256x64xf32, #tpu.memory_space<vmem>> -> memref<256x64xf32, #tpu.memory_space<vmem>>
        %dma_start3A_325 = arith.constant 0 : i32
        %dma_start3A_326 = tpu.memref_slice %dma_start3A_324[%add3A_319, %dma_start3A_325] : memref<256x64xf32, #tpu.memory_space<vmem>> -> memref<1x64xf32, #tpu.memory_space<vmem>>
        %dma_start3A_327 = arith.constant 0 : i32
        %dma_start3A_328 = tpu.memref_slice %arg2[%squeeze3A_315, %dma_start3A_327] : memref<1000000x64xf32, #tpu.memory_space<hbm>> -> memref<1x64xf32, #tpu.memory_space<hbm>>
        %dma_start3A_329 = arith.constant 0 : i32
        %dma_start3A_330 = arith.constant 0 : i32
        %dma_start3A_331 = tpu.memref_slice %arg6[%dma_start3A_320, %dma_start3A_329, %dma_start3A_330] : memref<2x256x64xf32, #tpu.memory_space<vmem>> -> memref<1x256x64xf32, #tpu.memory_space<vmem>>
        %dma_start3A_332 = tpu.memref_squeeze %dma_start3A_331 : memref<1x256x64xf32, #tpu.memory_space<vmem>> -> memref<256x64xf32, #tpu.memory_space<vmem>>
        %dma_start3A_333 = arith.constant 0 : i32
        %dma_start3A_334 = tpu.memref_slice %dma_start3A_332[%add3A_319, %dma_start3A_333] : memref<256x64xf32, #tpu.memory_space<vmem>> -> memref<1x64xf32, #tpu.memory_space<vmem>>
        %dma_start3A_335 = arith.constant 0 : i32
        %dma_start3A_336 = tpu.memref_slice %arg2[%squeeze3A_315, %dma_start3A_335] : memref<1000000x64xf32, #tpu.memory_space<hbm>> -> memref<1x64xf32, #tpu.memory_space<hbm>>
        tpu.enqueue_dma source(%dma_start3A_336 : memref<1x64xf32, #tpu.memory_space<hbm>>) target(%dma_start3A_334 : memref<1x64xf32, #tpu.memory_space<vmem>>) target_semaphore(%arg8 : memref<!tpu.dma_semaphore, #tpu.memory_space<semaphore_mem>>)
        %slice3A_337 = vector.extract_strided_slice %get3A_131 {offsets = [9], sizes = [1], strides = [1]} : vector<16xi32> to vector<1xi32>
        %squeeze3A_338 = vector.extract %slice3A_337[0] : i32 from vector<1xi32>
        %mul3A_339 = arith.constant 16 : i32
        %mul3A_340 = arith.muli %add3A_126, %mul3A_339 : i32
        %add3A_341 = arith.constant 9 : i32
        %add3A_342 = arith.addi %mul3A_340, %add3A_341 : i32
        %dma_start3A_343 = arith.constant 1 : i32
        %dma_start3A_344 = arith.constant 0 : i32
        %dma_start3A_345 = arith.constant 0 : i32
        %dma_start3A_346 = tpu.memref_slice %arg6[%dma_start3A_343, %dma_start3A_344, %dma_start3A_345] : memref<2x256x64xf32, #tpu.memory_space<vmem>> -> memref<1x256x64xf32, #tpu.memory_space<vmem>>
        %dma_start3A_347 = tpu.memref_squeeze %dma_start3A_346 : memref<1x256x64xf32, #tpu.memory_space<vmem>> -> memref<256x64xf32, #tpu.memory_space<vmem>>
        %dma_start3A_348 = arith.constant 0 : i32
        %dma_start3A_349 = tpu.memref_slice %dma_start3A_347[%add3A_342, %dma_start3A_348] : memref<256x64xf32, #tpu.memory_space<vmem>> -> memref<1x64xf32, #tpu.memory_space<vmem>>
        %dma_start3A_350 = arith.constant 0 : i32
        %dma_start3A_351 = tpu.memref_slice %arg2[%squeeze3A_338, %dma_start3A_350] : memref<1000000x64xf32, #tpu.memory_space<hbm>> -> memref<1x64xf32, #tpu.memory_space<hbm>>
        %dma_start3A_352 = arith.constant 0 : i32
        %dma_start3A_353 = arith.constant 0 : i32
        %dma_start3A_354 = tpu.memref_slice %arg6[%dma_start3A_343, %dma_start3A_352, %dma_start3A_353] : memref<2x256x64xf32, #tpu.memory_space<vmem>> -> memref<1x256x64xf32, #tpu.memory_space<vmem>>
        %dma_start3A_355 = tpu.memref_squeeze %dma_start3A_354 : memref<1x256x64xf32, #tpu.memory_space<vmem>> -> memref<256x64xf32, #tpu.memory_space<vmem>>
        %dma_start3A_356 = arith.constant 0 : i32
        %dma_start3A_357 = tpu.memref_slice %dma_start3A_355[%add3A_342, %dma_start3A_356] : memref<256x64xf32, #tpu.memory_space<vmem>> -> memref<1x64xf32, #tpu.memory_space<vmem>>
        %dma_start3A_358 = arith.constant 0 : i32
        %dma_start3A_359 = tpu.memref_slice %arg2[%squeeze3A_338, %dma_start3A_358] : memref<1000000x64xf32, #tpu.memory_space<hbm>> -> memref<1x64xf32, #tpu.memory_space<hbm>>
        tpu.enqueue_dma source(%dma_start3A_359 : memref<1x64xf32, #tpu.memory_space<hbm>>) target(%dma_start3A_357 : memref<1x64xf32, #tpu.memory_space<vmem>>) target_semaphore(%arg8 : memref<!tpu.dma_semaphore, #tpu.memory_space<semaphore_mem>>)
        %slice3A_360 = vector.extract_strided_slice %get3A_131 {offsets = [10], sizes = [1], strides = [1]} : vector<16xi32> to vector<1xi32>
        %squeeze3A_361 = vector.extract %slice3A_360[0] : i32 from vector<1xi32>
        %mul3A_362 = arith.constant 16 : i32
        %mul3A_363 = arith.muli %add3A_126, %mul3A_362 : i32
        %add3A_364 = arith.constant 10 : i32
        %add3A_365 = arith.addi %mul3A_363, %add3A_364 : i32
        %dma_start3A_366 = arith.constant 1 : i32
        %dma_start3A_367 = arith.constant 0 : i32
        %dma_start3A_368 = arith.constant 0 : i32
        %dma_start3A_369 = tpu.memref_slice %arg6[%dma_start3A_366, %dma_start3A_367, %dma_start3A_368] : memref<2x256x64xf32, #tpu.memory_space<vmem>> -> memref<1x256x64xf32, #tpu.memory_space<vmem>>
        %dma_start3A_370 = tpu.memref_squeeze %dma_start3A_369 : memref<1x256x64xf32, #tpu.memory_space<vmem>> -> memref<256x64xf32, #tpu.memory_space<vmem>>
        %dma_start3A_371 = arith.constant 0 : i32
        %dma_start3A_372 = tpu.memref_slice %dma_start3A_370[%add3A_365, %dma_start3A_371] : memref<256x64xf32, #tpu.memory_space<vmem>> -> memref<1x64xf32, #tpu.memory_space<vmem>>
        %dma_start3A_373 = arith.constant 0 : i32
        %dma_start3A_374 = tpu.memref_slice %arg2[%squeeze3A_361, %dma_start3A_373] : memref<1000000x64xf32, #tpu.memory_space<hbm>> -> memref<1x64xf32, #tpu.memory_space<hbm>>
        %dma_start3A_375 = arith.constant 0 : i32
        %dma_start3A_376 = arith.constant 0 : i32
        %dma_start3A_377 = tpu.memref_slice %arg6[%dma_start3A_366, %dma_start3A_375, %dma_start3A_376] : memref<2x256x64xf32, #tpu.memory_space<vmem>> -> memref<1x256x64xf32, #tpu.memory_space<vmem>>
        %dma_start3A_378 = tpu.memref_squeeze %dma_start3A_377 : memref<1x256x64xf32, #tpu.memory_space<vmem>> -> memref<256x64xf32, #tpu.memory_space<vmem>>
        %dma_start3A_379 = arith.constant 0 : i32
        %dma_start3A_380 = tpu.memref_slice %dma_start3A_378[%add3A_365, %dma_start3A_379] : memref<256x64xf32, #tpu.memory_space<vmem>> -> memref<1x64xf32, #tpu.memory_space<vmem>>
        %dma_start3A_381 = arith.constant 0 : i32
        %dma_start3A_382 = tpu.memref_slice %arg2[%squeeze3A_361, %dma_start3A_381] : memref<1000000x64xf32, #tpu.memory_space<hbm>> -> memref<1x64xf32, #tpu.memory_space<hbm>>
        tpu.enqueue_dma source(%dma_start3A_382 : memref<1x64xf32, #tpu.memory_space<hbm>>) target(%dma_start3A_380 : memref<1x64xf32, #tpu.memory_space<vmem>>) target_semaphore(%arg8 : memref<!tpu.dma_semaphore, #tpu.memory_space<semaphore_mem>>)
        %slice3A_383 = vector.extract_strided_slice %get3A_131 {offsets = [11], sizes = [1], strides = [1]} : vector<16xi32> to vector<1xi32>
        %squeeze3A_384 = vector.extract %slice3A_383[0] : i32 from vector<1xi32>
        %mul3A_385 = arith.constant 16 : i32
        %mul3A_386 = arith.muli %add3A_126, %mul3A_385 : i32
        %add3A_387 = arith.constant 11 : i32
        %add3A_388 = arith.addi %mul3A_386, %add3A_387 : i32
        %dma_start3A_389 = arith.constant 1 : i32
        %dma_start3A_390 = arith.constant 0 : i32
        %dma_start3A_391 = arith.constant 0 : i32
        %dma_start3A_392 = tpu.memref_slice %arg6[%dma_start3A_389, %dma_start3A_390, %dma_start3A_391] : memref<2x256x64xf32, #tpu.memory_space<vmem>> -> memref<1x256x64xf32, #tpu.memory_space<vmem>>
        %dma_start3A_393 = tpu.memref_squeeze %dma_start3A_392 : memref<1x256x64xf32, #tpu.memory_space<vmem>> -> memref<256x64xf32, #tpu.memory_space<vmem>>
        %dma_start3A_394 = arith.constant 0 : i32
        %dma_start3A_395 = tpu.memref_slice %dma_start3A_393[%add3A_388, %dma_start3A_394] : memref<256x64xf32, #tpu.memory_space<vmem>> -> memref<1x64xf32, #tpu.memory_space<vmem>>
        %dma_start3A_396 = arith.constant 0 : i32
        %dma_start3A_397 = tpu.memref_slice %arg2[%squeeze3A_384, %dma_start3A_396] : memref<1000000x64xf32, #tpu.memory_space<hbm>> -> memref<1x64xf32, #tpu.memory_space<hbm>>
        %dma_start3A_398 = arith.constant 0 : i32
        %dma_start3A_399 = arith.constant 0 : i32
        %dma_start3A_400 = tpu.memref_slice %arg6[%dma_start3A_389, %dma_start3A_398, %dma_start3A_399] : memref<2x256x64xf32, #tpu.memory_space<vmem>> -> memref<1x256x64xf32, #tpu.memory_space<vmem>>
        %dma_start3A_401 = tpu.memref_squeeze %dma_start3A_400 : memref<1x256x64xf32, #tpu.memory_space<vmem>> -> memref<256x64xf32, #tpu.memory_space<vmem>>
        %dma_start3A_402 = arith.constant 0 : i32
        %dma_start3A_403 = tpu.memref_slice %dma_start3A_401[%add3A_388, %dma_start3A_402] : memref<256x64xf32, #tpu.memory_space<vmem>> -> memref<1x64xf32, #tpu.memory_space<vmem>>
        %dma_start3A_404 = arith.constant 0 : i32
        %dma_start3A_405 = tpu.memref_slice %arg2[%squeeze3A_384, %dma_start3A_404] : memref<1000000x64xf32, #tpu.memory_space<hbm>> -> memref<1x64xf32, #tpu.memory_space<hbm>>
        tpu.enqueue_dma source(%dma_start3A_405 : memref<1x64xf32, #tpu.memory_space<hbm>>) target(%dma_start3A_403 : memref<1x64xf32, #tpu.memory_space<vmem>>) target_semaphore(%arg8 : memref<!tpu.dma_semaphore, #tpu.memory_space<semaphore_mem>>)
        %slice3A_406 = vector.extract_strided_slice %get3A_131 {offsets = [12], sizes = [1], strides = [1]} : vector<16xi32> to vector<1xi32>
        %squeeze3A_407 = vector.extract %slice3A_406[0] : i32 from vector<1xi32>
        %mul3A_408 = arith.constant 16 : i32
        %mul3A_409 = arith.muli %add3A_126, %mul3A_408 : i32
        %add3A_410 = arith.constant 12 : i32
        %add3A_411 = arith.addi %mul3A_409, %add3A_410 : i32
        %dma_start3A_412 = arith.constant 1 : i32
        %dma_start3A_413 = arith.constant 0 : i32
        %dma_start3A_414 = arith.constant 0 : i32
        %dma_start3A_415 = tpu.memref_slice %arg6[%dma_start3A_412, %dma_start3A_413, %dma_start3A_414] : memref<2x256x64xf32, #tpu.memory_space<vmem>> -> memref<1x256x64xf32, #tpu.memory_space<vmem>>
        %dma_start3A_416 = tpu.memref_squeeze %dma_start3A_415 : memref<1x256x64xf32, #tpu.memory_space<vmem>> -> memref<256x64xf32, #tpu.memory_space<vmem>>
        %dma_start3A_417 = arith.constant 0 : i32
        %dma_start3A_418 = tpu.memref_slice %dma_start3A_416[%add3A_411, %dma_start3A_417] : memref<256x64xf32, #tpu.memory_space<vmem>> -> memref<1x64xf32, #tpu.memory_space<vmem>>
        %dma_start3A_419 = arith.constant 0 : i32
        %dma_start3A_420 = tpu.memref_slice %arg2[%squeeze3A_407, %dma_start3A_419] : memref<1000000x64xf32, #tpu.memory_space<hbm>> -> memref<1x64xf32, #tpu.memory_space<hbm>>
        %dma_start3A_421 = arith.constant 0 : i32
        %dma_start3A_422 = arith.constant 0 : i32
        %dma_start3A_423 = tpu.memref_slice %arg6[%dma_start3A_412, %dma_start3A_421, %dma_start3A_422] : memref<2x256x64xf32, #tpu.memory_space<vmem>> -> memref<1x256x64xf32, #tpu.memory_space<vmem>>
        %dma_start3A_424 = tpu.memref_squeeze %dma_start3A_423 : memref<1x256x64xf32, #tpu.memory_space<vmem>> -> memref<256x64xf32, #tpu.memory_space<vmem>>
        %dma_start3A_425 = arith.constant 0 : i32
        %dma_start3A_426 = tpu.memref_slice %dma_start3A_424[%add3A_411, %dma_start3A_425] : memref<256x64xf32, #tpu.memory_space<vmem>> -> memref<1x64xf32, #tpu.memory_space<vmem>>
        %dma_start3A_427 = arith.constant 0 : i32
        %dma_start3A_428 = tpu.memref_slice %arg2[%squeeze3A_407, %dma_start3A_427] : memref<1000000x64xf32, #tpu.memory_space<hbm>> -> memref<1x64xf32, #tpu.memory_space<hbm>>
        tpu.enqueue_dma source(%dma_start3A_428 : memref<1x64xf32, #tpu.memory_space<hbm>>) target(%dma_start3A_426 : memref<1x64xf32, #tpu.memory_space<vmem>>) target_semaphore(%arg8 : memref<!tpu.dma_semaphore, #tpu.memory_space<semaphore_mem>>)
        %slice3A_429 = vector.extract_strided_slice %get3A_131 {offsets = [13], sizes = [1], strides = [1]} : vector<16xi32> to vector<1xi32>
        %squeeze3A_430 = vector.extract %slice3A_429[0] : i32 from vector<1xi32>
        %mul3A_431 = arith.constant 16 : i32
        %mul3A_432 = arith.muli %add3A_126, %mul3A_431 : i32
        %add3A_433 = arith.constant 13 : i32
        %add3A_434 = arith.addi %mul3A_432, %add3A_433 : i32
        %dma_start3A_435 = arith.constant 1 : i32
        %dma_start3A_436 = arith.constant 0 : i32
        %dma_start3A_437 = arith.constant 0 : i32
        %dma_start3A_438 = tpu.memref_slice %arg6[%dma_start3A_435, %dma_start3A_436, %dma_start3A_437] : memref<2x256x64xf32, #tpu.memory_space<vmem>> -> memref<1x256x64xf32, #tpu.memory_space<vmem>>
        %dma_start3A_439 = tpu.memref_squeeze %dma_start3A_438 : memref<1x256x64xf32, #tpu.memory_space<vmem>> -> memref<256x64xf32, #tpu.memory_space<vmem>>
        %dma_start3A_440 = arith.constant 0 : i32
        %dma_start3A_441 = tpu.memref_slice %dma_start3A_439[%add3A_434, %dma_start3A_440] : memref<256x64xf32, #tpu.memory_space<vmem>> -> memref<1x64xf32, #tpu.memory_space<vmem>>
        %dma_start3A_442 = arith.constant 0 : i32
        %dma_start3A_443 = tpu.memref_slice %arg2[%squeeze3A_430, %dma_start3A_442] : memref<1000000x64xf32, #tpu.memory_space<hbm>> -> memref<1x64xf32, #tpu.memory_space<hbm>>
        %dma_start3A_444 = arith.constant 0 : i32
        %dma_start3A_445 = arith.constant 0 : i32
        %dma_start3A_446 = tpu.memref_slice %arg6[%dma_start3A_435, %dma_start3A_444, %dma_start3A_445] : memref<2x256x64xf32, #tpu.memory_space<vmem>> -> memref<1x256x64xf32, #tpu.memory_space<vmem>>
        %dma_start3A_447 = tpu.memref_squeeze %dma_start3A_446 : memref<1x256x64xf32, #tpu.memory_space<vmem>> -> memref<256x64xf32, #tpu.memory_space<vmem>>
        %dma_start3A_448 = arith.constant 0 : i32
        %dma_start3A_449 = tpu.memref_slice %dma_start3A_447[%add3A_434, %dma_start3A_448] : memref<256x64xf32, #tpu.memory_space<vmem>> -> memref<1x64xf32, #tpu.memory_space<vmem>>
        %dma_start3A_450 = arith.constant 0 : i32
        %dma_start3A_451 = tpu.memref_slice %arg2[%squeeze3A_430, %dma_start3A_450] : memref<1000000x64xf32, #tpu.memory_space<hbm>> -> memref<1x64xf32, #tpu.memory_space<hbm>>
        tpu.enqueue_dma source(%dma_start3A_451 : memref<1x64xf32, #tpu.memory_space<hbm>>) target(%dma_start3A_449 : memref<1x64xf32, #tpu.memory_space<vmem>>) target_semaphore(%arg8 : memref<!tpu.dma_semaphore, #tpu.memory_space<semaphore_mem>>)
        %slice3A_452 = vector.extract_strided_slice %get3A_131 {offsets = [14], sizes = [1], strides = [1]} : vector<16xi32> to vector<1xi32>
        %squeeze3A_453 = vector.extract %slice3A_452[0] : i32 from vector<1xi32>
        %mul3A_454 = arith.constant 16 : i32
        %mul3A_455 = arith.muli %add3A_126, %mul3A_454 : i32
        %add3A_456 = arith.constant 14 : i32
        %add3A_457 = arith.addi %mul3A_455, %add3A_456 : i32
        %dma_start3A_458 = arith.constant 1 : i32
        %dma_start3A_459 = arith.constant 0 : i32
        %dma_start3A_460 = arith.constant 0 : i32
        %dma_start3A_461 = tpu.memref_slice %arg6[%dma_start3A_458, %dma_start3A_459, %dma_start3A_460] : memref<2x256x64xf32, #tpu.memory_space<vmem>> -> memref<1x256x64xf32, #tpu.memory_space<vmem>>
        %dma_start3A_462 = tpu.memref_squeeze %dma_start3A_461 : memref<1x256x64xf32, #tpu.memory_space<vmem>> -> memref<256x64xf32, #tpu.memory_space<vmem>>
        %dma_start3A_463 = arith.constant 0 : i32
        %dma_start3A_464 = tpu.memref_slice %dma_start3A_462[%add3A_457, %dma_start3A_463] : memref<256x64xf32, #tpu.memory_space<vmem>> -> memref<1x64xf32, #tpu.memory_space<vmem>>
        %dma_start3A_465 = arith.constant 0 : i32
        %dma_start3A_466 = tpu.memref_slice %arg2[%squeeze3A_453, %dma_start3A_465] : memref<1000000x64xf32, #tpu.memory_space<hbm>> -> memref<1x64xf32, #tpu.memory_space<hbm>>
        %dma_start3A_467 = arith.constant 0 : i32
        %dma_start3A_468 = arith.constant 0 : i32
        %dma_start3A_469 = tpu.memref_slice %arg6[%dma_start3A_458, %dma_start3A_467, %dma_start3A_468] : memref<2x256x64xf32, #tpu.memory_space<vmem>> -> memref<1x256x64xf32, #tpu.memory_space<vmem>>
        %dma_start3A_470 = tpu.memref_squeeze %dma_start3A_469 : memref<1x256x64xf32, #tpu.memory_space<vmem>> -> memref<256x64xf32, #tpu.memory_space<vmem>>
        %dma_start3A_471 = arith.constant 0 : i32
        %dma_start3A_472 = tpu.memref_slice %dma_start3A_470[%add3A_457, %dma_start3A_471] : memref<256x64xf32, #tpu.memory_space<vmem>> -> memref<1x64xf32, #tpu.memory_space<vmem>>
        %dma_start3A_473 = arith.constant 0 : i32
        %dma_start3A_474 = tpu.memref_slice %arg2[%squeeze3A_453, %dma_start3A_473] : memref<1000000x64xf32, #tpu.memory_space<hbm>> -> memref<1x64xf32, #tpu.memory_space<hbm>>
        tpu.enqueue_dma source(%dma_start3A_474 : memref<1x64xf32, #tpu.memory_space<hbm>>) target(%dma_start3A_472 : memref<1x64xf32, #tpu.memory_space<vmem>>) target_semaphore(%arg8 : memref<!tpu.dma_semaphore, #tpu.memory_space<semaphore_mem>>)
        %slice3A_475 = vector.extract_strided_slice %get3A_131 {offsets = [15], sizes = [1], strides = [1]} : vector<16xi32> to vector<1xi32>
        %squeeze3A_476 = vector.extract %slice3A_475[0] : i32 from vector<1xi32>
        %mul3A_477 = arith.constant 16 : i32
        %mul3A_478 = arith.muli %add3A_126, %mul3A_477 : i32
        %add3A_479 = arith.constant 15 : i32
        %add3A_480 = arith.addi %mul3A_478, %add3A_479 : i32
        %dma_start3A_481 = arith.constant 1 : i32
        %dma_start3A_482 = arith.constant 0 : i32
        %dma_start3A_483 = arith.constant 0 : i32
        %dma_start3A_484 = tpu.memref_slice %arg6[%dma_start3A_481, %dma_start3A_482, %dma_start3A_483] : memref<2x256x64xf32, #tpu.memory_space<vmem>> -> memref<1x256x64xf32, #tpu.memory_space<vmem>>
        %dma_start3A_485 = tpu.memref_squeeze %dma_start3A_484 : memref<1x256x64xf32, #tpu.memory_space<vmem>> -> memref<256x64xf32, #tpu.memory_space<vmem>>
        %dma_start3A_486 = arith.constant 0 : i32
        %dma_start3A_487 = tpu.memref_slice %dma_start3A_485[%add3A_480, %dma_start3A_486] : memref<256x64xf32, #tpu.memory_space<vmem>> -> memref<1x64xf32, #tpu.memory_space<vmem>>
        %dma_start3A_488 = arith.constant 0 : i32
        %dma_start3A_489 = tpu.memref_slice %arg2[%squeeze3A_476, %dma_start3A_488] : memref<1000000x64xf32, #tpu.memory_space<hbm>> -> memref<1x64xf32, #tpu.memory_space<hbm>>
        %dma_start3A_490 = arith.constant 0 : i32
        %dma_start3A_491 = arith.constant 0 : i32
        %dma_start3A_492 = tpu.memref_slice %arg6[%dma_start3A_481, %dma_start3A_490, %dma_start3A_491] : memref<2x256x64xf32, #tpu.memory_space<vmem>> -> memref<1x256x64xf32, #tpu.memory_space<vmem>>
        %dma_start3A_493 = tpu.memref_squeeze %dma_start3A_492 : memref<1x256x64xf32, #tpu.memory_space<vmem>> -> memref<256x64xf32, #tpu.memory_space<vmem>>
        %dma_start3A_494 = arith.constant 0 : i32
        %dma_start3A_495 = tpu.memref_slice %dma_start3A_493[%add3A_480, %dma_start3A_494] : memref<256x64xf32, #tpu.memory_space<vmem>> -> memref<1x64xf32, #tpu.memory_space<vmem>>
        %dma_start3A_496 = arith.constant 0 : i32
        %dma_start3A_497 = tpu.memref_slice %arg2[%squeeze3A_476, %dma_start3A_496] : memref<1000000x64xf32, #tpu.memory_space<hbm>> -> memref<1x64xf32, #tpu.memory_space<hbm>>
        tpu.enqueue_dma source(%dma_start3A_497 : memref<1x64xf32, #tpu.memory_space<hbm>>) target(%dma_start3A_495 : memref<1x64xf32, #tpu.memory_space<vmem>>) target_semaphore(%arg8 : memref<!tpu.dma_semaphore, #tpu.memory_space<semaphore_mem>>)
      }
      %scan3A_82 = arith.constant 16 : i32
      %dma_wait3A_83 = arith.constant 1 : i32
      %dma_wait3A_84 = arith.constant 0 : i32
      %dma_wait3A_85 = arith.constant 0 : i32
      %dma_wait3A_86 = tpu.memref_slice %arg6[%dma_wait3A_83, %dma_wait3A_84, %dma_wait3A_85] : memref<2x256x64xf32, #tpu.memory_space<vmem>> -> memref<1x256x64xf32, #tpu.memory_space<vmem>>
      %dma_wait3A_87 = tpu.memref_squeeze %dma_wait3A_86 : memref<1x256x64xf32, #tpu.memory_space<vmem>> -> memref<256x64xf32, #tpu.memory_space<vmem>>
      %dma_wait3A_88 = arith.constant 0 : i32
      %dma_wait3A_89 = arith.constant 0 : i32
      %dma_wait3A_90 = tpu.memref_slice %arg2[%dma_wait3A_88, %dma_wait3A_89] : memref<1000000x64xf32, #tpu.memory_space<hbm>> -> memref<256x64xf32, #tpu.memory_space<hbm>>
      %dma_wait3A_91 = arith.constant 0 : i32
      %dma_wait3A_92 = arith.constant 0 : i32
      %dma_wait3A_93 = tpu.memref_slice %arg6[%dma_wait3A_83, %dma_wait3A_91, %dma_wait3A_92] : memref<2x256x64xf32, #tpu.memory_space<vmem>> -> memref<1x256x64xf32, #tpu.memory_space<vmem>>
      %dma_wait3A_94 = tpu.memref_squeeze %dma_wait3A_93 : memref<1x256x64xf32, #tpu.memory_space<vmem>> -> memref<256x64xf32, #tpu.memory_space<vmem>>
      %dma_wait3A_95 = arith.constant 0 : i32
      %dma_wait3A_96 = arith.constant 0 : i32
      %dma_wait3A_97 = tpu.memref_slice %arg2[%dma_wait3A_95, %dma_wait3A_96] : memref<1000000x64xf32, #tpu.memory_space<hbm>> -> memref<256x64xf32, #tpu.memory_space<hbm>>
      tpu.wait_dma2 semaphore(%arg8 : memref<!tpu.dma_semaphore, #tpu.memory_space<semaphore_mem>>) src(%dma_wait3A_97 : memref<256x64xf32, #tpu.memory_space<hbm>>) dst(%dma_wait3A_94 : memref<256x64xf32, #tpu.memory_space<vmem>>)
      %add3A_98 = arith.constant 1 : i32
      %add3A_99 = arith.addi %add3A_41, %add3A_98 : i32
      %mul3A_100 = arith.constant 256 : i32
      %mul3A_101 = arith.muli %add3A_99, %mul3A_100 : i32
      %add3A_102 = arith.addi %mul3A_2, %mul3A_101 : i32
      %dma_start3A_103 = arith.constant 1 : i32
      %dma_start3A_104 = arith.constant 0 : i32
      %dma_start3A_105 = arith.constant 0 : i32
      %dma_start3A_106 = tpu.memref_slice %arg6[%dma_start3A_103, %dma_start3A_104, %dma_start3A_105] : memref<2x256x64xf32, #tpu.memory_space<vmem>> -> memref<1x256x64xf32, #tpu.memory_space<vmem>>
      %dma_start3A_107 = tpu.memref_squeeze %dma_start3A_106 : memref<1x256x64xf32, #tpu.memory_space<vmem>> -> memref<256x64xf32, #tpu.memory_space<vmem>>
      %dma_start3A_108 = arith.constant 0 : i32
      %dma_start3A_109 = tpu.memref_slice %arg4[%add3A_102, %dma_start3A_108] : memref<819200x64xf32, #tpu.memory_space<hbm>> -> memref<256x64xf32, #tpu.memory_space<hbm>>
      %dma_start3A_110 = arith.constant 0 : i32
      %dma_start3A_111 = tpu.memref_slice %arg4[%add3A_102, %dma_start3A_110] : memref<819200x64xf32, #tpu.memory_space<hbm>> -> memref<256x64xf32, #tpu.memory_space<hbm>>
      %dma_start3A_112 = arith.constant 0 : i32
      %dma_start3A_113 = arith.constant 0 : i32
      %dma_start3A_114 = tpu.memref_slice %arg6[%dma_start3A_103, %dma_start3A_112, %dma_start3A_113] : memref<2x256x64xf32, #tpu.memory_space<vmem>> -> memref<1x256x64xf32, #tpu.memory_space<vmem>>
      %dma_start3A_115 = tpu.memref_squeeze %dma_start3A_114 : memref<1x256x64xf32, #tpu.memory_space<vmem>> -> memref<256x64xf32, #tpu.memory_space<vmem>>
      tpu.enqueue_dma source(%dma_start3A_115 : memref<256x64xf32, #tpu.memory_space<vmem>>) target(%dma_start3A_111 : memref<256x64xf32, #tpu.memory_space<hbm>>) target_semaphore(%arg10 : memref<!tpu.dma_semaphore, #tpu.memory_space<semaphore_mem>>)
      %add3A_116 = arith.constant 2 : i32
      %add3A_117 = arith.addi %add3A_41, %add3A_116 : i32
      %lt3A = arith.constant 100 : i32
      %lt3A_118 = arith.cmpi slt, %add3A_117, %lt3A : i32
      %convert_element_type3A_119 = arith.extui %lt3A_118 : i1 to i32
      %cond3A_120 = arith.constant 0 : i32
      %cond3A_121 = arith.cmpi ne, %convert_element_type3A_119, %cond3A_120 : i32
      scf.if %cond3A_121 {
        %dma_wait3A_122 = arith.constant 0 : i32
        %dma_wait3A_123 = arith.constant 0 : i32
        %dma_wait3A_124 = arith.constant 0 : i32
        %dma_wait3A_125 = tpu.memref_slice %arg6[%dma_wait3A_122, %dma_wait3A_123, %dma_wait3A_124] : memref<2x256x64xf32, #tpu.memory_space<vmem>> -> memref<1x256x64xf32, #tpu.memory_space<vmem>>
        %dma_wait3A_126 = tpu.memref_squeeze %dma_wait3A_125 : memref<1x256x64xf32, #tpu.memory_space<vmem>> -> memref<256x64xf32, #tpu.memory_space<vmem>>
        %dma_wait3A_127 = arith.constant 0 : i32
        %dma_wait3A_128 = tpu.memref_slice %arg4[%mul3A_2, %dma_wait3A_127] : memref<819200x64xf32, #tpu.memory_space<hbm>> -> memref<256x64xf32, #tpu.memory_space<hbm>>
        %dma_wait3A_129 = arith.constant 0 : i32
        %dma_wait3A_130 = tpu.memref_slice %arg4[%mul3A_2, %dma_wait3A_129] : memref<819200x64xf32, #tpu.memory_space<hbm>> -> memref<256x64xf32, #tpu.memory_space<hbm>>
        %dma_wait3A_131 = arith.constant 0 : i32
        %dma_wait3A_132 = arith.constant 0 : i32
        %dma_wait3A_133 = tpu.memref_slice %arg6[%dma_wait3A_122, %dma_wait3A_131, %dma_wait3A_132] : memref<2x256x64xf32, #tpu.memory_space<vmem>> -> memref<1x256x64xf32, #tpu.memory_space<vmem>>
        %dma_wait3A_134 = tpu.memref_squeeze %dma_wait3A_133 : memref<1x256x64xf32, #tpu.memory_space<vmem>> -> memref<256x64xf32, #tpu.memory_space<vmem>>
        tpu.wait_dma2 semaphore(%arg9 : memref<!tpu.dma_semaphore, #tpu.memory_space<semaphore_mem>>) src(%dma_wait3A_134 : memref<256x64xf32, #tpu.memory_space<vmem>>) dst(%dma_wait3A_130 : memref<256x64xf32, #tpu.memory_space<hbm>>)
        %add3A_135 = arith.constant 2 : i32
        %add3A_136 = arith.addi %add3A_41, %add3A_135 : i32
        %mul3A_137 = arith.constant 256 : i32
        %mul3A_138 = arith.muli %add3A_136, %mul3A_137 : i32
        %scan3A_139 = arith.constant 0 : i32
        %scan3A_140 = arith.constant 16 : i32
        %scan3A_141 = arith.addi %scan3A_139, %scan3A_140 : i32
        %scan3A_142 = arith.constant 1 : i32
        scf.for %scan3A_144 = %scan3A_139 to %scan3A_141 step %scan3A_142  : i32 {
          %mul3A_145 = arith.constant 1 : i32
          %mul3A_146 = arith.muli %scan3A_144, %mul3A_145 : i32
          %add3A_147 = arith.constant 0 : i32
          %add3A_148 = arith.addi %add3A_147, %mul3A_146 : i32
          %mul3A_149 = arith.constant 16 : i32
          %mul3A_150 = arith.muli %add3A_148, %mul3A_149 : i32
          %add3A_151 = arith.addi %mul3A_138, %mul3A_150 : i32
          %get3A = arith.index_cast %add3A_151 : i32 to index
          %get3A_152 = tpu.vector_load %arg5[%get3A] {strides = array<i32>} : memref<25600xi32, #tpu.memory_space<vmem>>, vector<16xi32>,
          %get3A_153 = vector.shape_cast %get3A_152 : vector<16xi32> to vector<16xi32>
          %slice3A = vector.extract_strided_slice %get3A_153 {offsets = [0], sizes = [1], strides = [1]} : vector<16xi32> to vector<1xi32>
          %squeeze3A = vector.extract %slice3A[0] : i32 from vector<1xi32>
          %mul3A_154 = arith.constant 16 : i32
          %mul3A_155 = arith.muli %add3A_148, %mul3A_154 : i32
          %add3A_156 = arith.constant 0 : i32
          %add3A_157 = arith.addi %mul3A_155, %add3A_156 : i32
          %dma_start3A_158 = arith.constant 0 : i32
          %dma_start3A_159 = arith.constant 0 : i32
          %dma_start3A_160 = arith.constant 0 : i32
          %dma_start3A_161 = tpu.memref_slice %arg6[%dma_start3A_158, %dma_start3A_159, %dma_start3A_160] : memref<2x256x64xf32, #tpu.memory_space<vmem>> -> memref<1x256x64xf32, #tpu.memory_space<vmem>>
          %dma_start3A_162 = tpu.memref_squeeze %dma_start3A_161 : memref<1x256x64xf32, #tpu.memory_space<vmem>> -> memref<256x64xf32, #tpu.memory_space<vmem>>
          %dma_start3A_163 = arith.constant 0 : i32
          %dma_start3A_164 = tpu.memref_slice %dma_start3A_162[%add3A_157, %dma_start3A_163] : memref<256x64xf32, #tpu.memory_space<vmem>> -> memref<1x64xf32, #tpu.memory_space<vmem>>
          %dma_start3A_165 = arith.constant 0 : i32
          %dma_start3A_166 = tpu.memref_slice %arg2[%squeeze3A, %dma_start3A_165] : memref<1000000x64xf32, #tpu.memory_space<hbm>> -> memref<1x64xf32, #tpu.memory_space<hbm>>
          %dma_start3A_167 = arith.constant 0 : i32
          %dma_start3A_168 = arith.constant 0 : i32
          %dma_start3A_169 = tpu.memref_slice %arg6[%dma_start3A_158, %dma_start3A_167, %dma_start3A_168] : memref<2x256x64xf32, #tpu.memory_space<vmem>> -> memref<1x256x64xf32, #tpu.memory_space<vmem>>
          %dma_start3A_170 = tpu.memref_squeeze %dma_start3A_169 : memref<1x256x64xf32, #tpu.memory_space<vmem>> -> memref<256x64xf32, #tpu.memory_space<vmem>>
          %dma_start3A_171 = arith.constant 0 : i32
          %dma_start3A_172 = tpu.memref_slice %dma_start3A_170[%add3A_157, %dma_start3A_171] : memref<256x64xf32, #tpu.memory_space<vmem>> -> memref<1x64xf32, #tpu.memory_space<vmem>>
          %dma_start3A_173 = arith.constant 0 : i32
          %dma_start3A_174 = tpu.memref_slice %arg2[%squeeze3A, %dma_start3A_173] : memref<1000000x64xf32, #tpu.memory_space<hbm>> -> memref<1x64xf32, #tpu.memory_space<hbm>>
          tpu.enqueue_dma source(%dma_start3A_174 : memref<1x64xf32, #tpu.memory_space<hbm>>) target(%dma_start3A_172 : memref<1x64xf32, #tpu.memory_space<vmem>>) target_semaphore(%arg7 : memref<!tpu.dma_semaphore, #tpu.memory_space<semaphore_mem>>)
          %slice3A_175 = vector.extract_strided_slice %get3A_153 {offsets = [1], sizes = [1], strides = [1]} : vector<16xi32> to vector<1xi32>
          %squeeze3A_176 = vector.extract %slice3A_175[0] : i32 from vector<1xi32>
          %mul3A_177 = arith.constant 16 : i32
          %mul3A_178 = arith.muli %add3A_148, %mul3A_177 : i32
          %add3A_179 = arith.constant 1 : i32
          %add3A_180 = arith.addi %mul3A_178, %add3A_179 : i32
          %dma_start3A_181 = arith.constant 0 : i32
          %dma_start3A_182 = arith.constant 0 : i32
          %dma_start3A_183 = arith.constant 0 : i32
          %dma_start3A_184 = tpu.memref_slice %arg6[%dma_start3A_181, %dma_start3A_182, %dma_start3A_183] : memref<2x256x64xf32, #tpu.memory_space<vmem>> -> memref<1x256x64xf32, #tpu.memory_space<vmem>>
          %dma_start3A_185 = tpu.memref_squeeze %dma_start3A_184 : memref<1x256x64xf32, #tpu.memory_space<vmem>> -> memref<256x64xf32, #tpu.memory_space<vmem>>
          %dma_start3A_186 = arith.constant 0 : i32
          %dma_start3A_187 = tpu.memref_slice %dma_start3A_185[%add3A_180, %dma_start3A_186] : memref<256x64xf32, #tpu.memory_space<vmem>> -> memref<1x64xf32, #tpu.memory_space<vmem>>
          %dma_start3A_188 = arith.constant 0 : i32
          %dma_start3A_189 = tpu.memref_slice %arg2[%squeeze3A_176, %dma_start3A_188] : memref<1000000x64xf32, #tpu.memory_space<hbm>> -> memref<1x64xf32, #tpu.memory_space<hbm>>
          %dma_start3A_190 = arith.constant 0 : i32
          %dma_start3A_191 = arith.constant 0 : i32
          %dma_start3A_192 = tpu.memref_slice %arg6[%dma_start3A_181, %dma_start3A_190, %dma_start3A_191] : memref<2x256x64xf32, #tpu.memory_space<vmem>> -> memref<1x256x64xf32, #tpu.memory_space<vmem>>
          %dma_start3A_193 = tpu.memref_squeeze %dma_start3A_192 : memref<1x256x64xf32, #tpu.memory_space<vmem>> -> memref<256x64xf32, #tpu.memory_space<vmem>>
          %dma_start3A_194 = arith.constant 0 : i32
          %dma_start3A_195 = tpu.memref_slice %dma_start3A_193[%add3A_180, %dma_start3A_194] : memref<256x64xf32, #tpu.memory_space<vmem>> -> memref<1x64xf32, #tpu.memory_space<vmem>>
          %dma_start3A_196 = arith.constant 0 : i32
          %dma_start3A_197 = tpu.memref_slice %arg2[%squeeze3A_176, %dma_start3A_196] : memref<1000000x64xf32, #tpu.memory_space<hbm>> -> memref<1x64xf32, #tpu.memory_space<hbm>>
          tpu.enqueue_dma source(%dma_start3A_197 : memref<1x64xf32, #tpu.memory_space<hbm>>) target(%dma_start3A_195 : memref<1x64xf32, #tpu.memory_space<vmem>>) target_semaphore(%arg7 : memref<!tpu.dma_semaphore, #tpu.memory_space<semaphore_mem>>)
          %slice3A_198 = vector.extract_strided_slice %get3A_153 {offsets = [2], sizes = [1], strides = [1]} : vector<16xi32> to vector<1xi32>
          %squeeze3A_199 = vector.extract %slice3A_198[0] : i32 from vector<1xi32>
          %mul3A_200 = arith.constant 16 : i32
          %mul3A_201 = arith.muli %add3A_148, %mul3A_200 : i32
          %add3A_202 = arith.constant 2 : i32
          %add3A_203 = arith.addi %mul3A_201, %add3A_202 : i32
          %dma_start3A_204 = arith.constant 0 : i32
          %dma_start3A_205 = arith.constant 0 : i32
          %dma_start3A_206 = arith.constant 0 : i32
          %dma_start3A_207 = tpu.memref_slice %arg6[%dma_start3A_204, %dma_start3A_205, %dma_start3A_206] : memref<2x256x64xf32, #tpu.memory_space<vmem>> -> memref<1x256x64xf32, #tpu.memory_space<vmem>>
          %dma_start3A_208 = tpu.memref_squeeze %dma_start3A_207 : memref<1x256x64xf32, #tpu.memory_space<vmem>> -> memref<256x64xf32, #tpu.memory_space<vmem>>
          %dma_start3A_209 = arith.constant 0 : i32
          %dma_start3A_210 = tpu.memref_slice %dma_start3A_208[%add3A_203, %dma_start3A_209] : memref<256x64xf32, #tpu.memory_space<vmem>> -> memref<1x64xf32, #tpu.memory_space<vmem>>
          %dma_start3A_211 = arith.constant 0 : i32
          %dma_start3A_212 = tpu.memref_slice %arg2[%squeeze3A_199, %dma_start3A_211] : memref<1000000x64xf32, #tpu.memory_space<hbm>> -> memref<1x64xf32, #tpu.memory_space<hbm>>
          %dma_start3A_213 = arith.constant 0 : i32
          %dma_start3A_214 = arith.constant 0 : i32
          %dma_start3A_215 = tpu.memref_slice %arg6[%dma_start3A_204, %dma_start3A_213, %dma_start3A_214] : memref<2x256x64xf32, #tpu.memory_space<vmem>> -> memref<1x256x64xf32, #tpu.memory_space<vmem>>
          %dma_start3A_216 = tpu.memref_squeeze %dma_start3A_215 : memref<1x256x64xf32, #tpu.memory_space<vmem>> -> memref<256x64xf32, #tpu.memory_space<vmem>>
          %dma_start3A_217 = arith.constant 0 : i32
          %dma_start3A_218 = tpu.memref_slice %dma_start3A_216[%add3A_203, %dma_start3A_217] : memref<256x64xf32, #tpu.memory_space<vmem>> -> memref<1x64xf32, #tpu.memory_space<vmem>>
          %dma_start3A_219 = arith.constant 0 : i32
          %dma_start3A_220 = tpu.memref_slice %arg2[%squeeze3A_199, %dma_start3A_219] : memref<1000000x64xf32, #tpu.memory_space<hbm>> -> memref<1x64xf32, #tpu.memory_space<hbm>>
          tpu.enqueue_dma source(%dma_start3A_220 : memref<1x64xf32, #tpu.memory_space<hbm>>) target(%dma_start3A_218 : memref<1x64xf32, #tpu.memory_space<vmem>>) target_semaphore(%arg7 : memref<!tpu.dma_semaphore, #tpu.memory_space<semaphore_mem>>)
          %slice3A_221 = vector.extract_strided_slice %get3A_153 {offsets = [3], sizes = [1], strides = [1]} : vector<16xi32> to vector<1xi32>
          %squeeze3A_222 = vector.extract %slice3A_221[0] : i32 from vector<1xi32>
          %mul3A_223 = arith.constant 16 : i32
          %mul3A_224 = arith.muli %add3A_148, %mul3A_223 : i32
          %add3A_225 = arith.constant 3 : i32
          %add3A_226 = arith.addi %mul3A_224, %add3A_225 : i32
          %dma_start3A_227 = arith.constant 0 : i32
          %dma_start3A_228 = arith.constant 0 : i32
          %dma_start3A_229 = arith.constant 0 : i32
          %dma_start3A_230 = tpu.memref_slice %arg6[%dma_start3A_227, %dma_start3A_228, %dma_start3A_229] : memref<2x256x64xf32, #tpu.memory_space<vmem>> -> memref<1x256x64xf32, #tpu.memory_space<vmem>>
          %dma_start3A_231 = tpu.memref_squeeze %dma_start3A_230 : memref<1x256x64xf32, #tpu.memory_space<vmem>> -> memref<256x64xf32, #tpu.memory_space<vmem>>
          %dma_start3A_232 = arith.constant 0 : i32
          %dma_start3A_233 = tpu.memref_slice %dma_start3A_231[%add3A_226, %dma_start3A_232] : memref<256x64xf32, #tpu.memory_space<vmem>> -> memref<1x64xf32, #tpu.memory_space<vmem>>
          %dma_start3A_234 = arith.constant 0 : i32
          %dma_start3A_235 = tpu.memref_slice %arg2[%squeeze3A_222, %dma_start3A_234] : memref<1000000x64xf32, #tpu.memory_space<hbm>> -> memref<1x64xf32, #tpu.memory_space<hbm>>
          %dma_start3A_236 = arith.constant 0 : i32
          %dma_start3A_237 = arith.constant 0 : i32
          %dma_start3A_238 = tpu.memref_slice %arg6[%dma_start3A_227, %dma_start3A_236, %dma_start3A_237] : memref<2x256x64xf32, #tpu.memory_space<vmem>> -> memref<1x256x64xf32, #tpu.memory_space<vmem>>
          %dma_start3A_239 = tpu.memref_squeeze %dma_start3A_238 : memref<1x256x64xf32, #tpu.memory_space<vmem>> -> memref<256x64xf32, #tpu.memory_space<vmem>>
          %dma_start3A_240 = arith.constant 0 : i32
          %dma_start3A_241 = tpu.memref_slice %dma_start3A_239[%add3A_226, %dma_start3A_240] : memref<256x64xf32, #tpu.memory_space<vmem>> -> memref<1x64xf32, #tpu.memory_space<vmem>>
          %dma_start3A_242 = arith.constant 0 : i32
          %dma_start3A_243 = tpu.memref_slice %arg2[%squeeze3A_222, %dma_start3A_242] : memref<1000000x64xf32, #tpu.memory_space<hbm>> -> memref<1x64xf32, #tpu.memory_space<hbm>>
          tpu.enqueue_dma source(%dma_start3A_243 : memref<1x64xf32, #tpu.memory_space<hbm>>) target(%dma_start3A_241 : memref<1x64xf32, #tpu.memory_space<vmem>>) target_semaphore(%arg7 : memref<!tpu.dma_semaphore, #tpu.memory_space<semaphore_mem>>)
          %slice3A_244 = vector.extract_strided_slice %get3A_153 {offsets = [4], sizes = [1], strides = [1]} : vector<16xi32> to vector<1xi32>
          %squeeze3A_245 = vector.extract %slice3A_244[0] : i32 from vector<1xi32>
          %mul3A_246 = arith.constant 16 : i32
          %mul3A_247 = arith.muli %add3A_148, %mul3A_246 : i32
          %add3A_248 = arith.constant 4 : i32
          %add3A_249 = arith.addi %mul3A_247, %add3A_248 : i32
          %dma_start3A_250 = arith.constant 0 : i32
          %dma_start3A_251 = arith.constant 0 : i32
          %dma_start3A_252 = arith.constant 0 : i32
          %dma_start3A_253 = tpu.memref_slice %arg6[%dma_start3A_250, %dma_start3A_251, %dma_start3A_252] : memref<2x256x64xf32, #tpu.memory_space<vmem>> -> memref<1x256x64xf32, #tpu.memory_space<vmem>>
          %dma_start3A_254 = tpu.memref_squeeze %dma_start3A_253 : memref<1x256x64xf32, #tpu.memory_space<vmem>> -> memref<256x64xf32, #tpu.memory_space<vmem>>
          %dma_start3A_255 = arith.constant 0 : i32
          %dma_start3A_256 = tpu.memref_slice %dma_start3A_254[%add3A_249, %dma_start3A_255] : memref<256x64xf32, #tpu.memory_space<vmem>> -> memref<1x64xf32, #tpu.memory_space<vmem>>
          %dma_start3A_257 = arith.constant 0 : i32
          %dma_start3A_258 = tpu.memref_slice %arg2[%squeeze3A_245, %dma_start3A_257] : memref<1000000x64xf32, #tpu.memory_space<hbm>> -> memref<1x64xf32, #tpu.memory_space<hbm>>
          %dma_start3A_259 = arith.constant 0 : i32
          %dma_start3A_260 = arith.constant 0 : i32
          %dma_start3A_261 = tpu.memref_slice %arg6[%dma_start3A_250, %dma_start3A_259, %dma_start3A_260] : memref<2x256x64xf32, #tpu.memory_space<vmem>> -> memref<1x256x64xf32, #tpu.memory_space<vmem>>
          %dma_start3A_262 = tpu.memref_squeeze %dma_start3A_261 : memref<1x256x64xf32, #tpu.memory_space<vmem>> -> memref<256x64xf32, #tpu.memory_space<vmem>>
          %dma_start3A_263 = arith.constant 0 : i32
          %dma_start3A_264 = tpu.memref_slice %dma_start3A_262[%add3A_249, %dma_start3A_263] : memref<256x64xf32, #tpu.memory_space<vmem>> -> memref<1x64xf32, #tpu.memory_space<vmem>>
          %dma_start3A_265 = arith.constant 0 : i32
          %dma_start3A_266 = tpu.memref_slice %arg2[%squeeze3A_245, %dma_start3A_265] : memref<1000000x64xf32, #tpu.memory_space<hbm>> -> memref<1x64xf32, #tpu.memory_space<hbm>>
          tpu.enqueue_dma source(%dma_start3A_266 : memref<1x64xf32, #tpu.memory_space<hbm>>) target(%dma_start3A_264 : memref<1x64xf32, #tpu.memory_space<vmem>>) target_semaphore(%arg7 : memref<!tpu.dma_semaphore, #tpu.memory_space<semaphore_mem>>)
          %slice3A_267 = vector.extract_strided_slice %get3A_153 {offsets = [5], sizes = [1], strides = [1]} : vector<16xi32> to vector<1xi32>
          %squeeze3A_268 = vector.extract %slice3A_267[0] : i32 from vector<1xi32>
          %mul3A_269 = arith.constant 16 : i32
          %mul3A_270 = arith.muli %add3A_148, %mul3A_269 : i32
          %add3A_271 = arith.constant 5 : i32
          %add3A_272 = arith.addi %mul3A_270, %add3A_271 : i32
          %dma_start3A_273 = arith.constant 0 : i32
          %dma_start3A_274 = arith.constant 0 : i32
          %dma_start3A_275 = arith.constant 0 : i32
          %dma_start3A_276 = tpu.memref_slice %arg6[%dma_start3A_273, %dma_start3A_274, %dma_start3A_275] : memref<2x256x64xf32, #tpu.memory_space<vmem>> -> memref<1x256x64xf32, #tpu.memory_space<vmem>>
          %dma_start3A_277 = tpu.memref_squeeze %dma_start3A_276 : memref<1x256x64xf32, #tpu.memory_space<vmem>> -> memref<256x64xf32, #tpu.memory_space<vmem>>
          %dma_start3A_278 = arith.constant 0 : i32
          %dma_start3A_279 = tpu.memref_slice %dma_start3A_277[%add3A_272, %dma_start3A_278] : memref<256x64xf32, #tpu.memory_space<vmem>> -> memref<1x64xf32, #tpu.memory_space<vmem>>
          %dma_start3A_280 = arith.constant 0 : i32
          %dma_start3A_281 = tpu.memref_slice %arg2[%squeeze3A_268, %dma_start3A_280] : memref<1000000x64xf32, #tpu.memory_space<hbm>> -> memref<1x64xf32, #tpu.memory_space<hbm>>
          %dma_start3A_282 = arith.constant 0 : i32
          %dma_start3A_283 = arith.constant 0 : i32
          %dma_start3A_284 = tpu.memref_slice %arg6[%dma_start3A_273, %dma_start3A_282, %dma_start3A_283] : memref<2x256x64xf32, #tpu.memory_space<vmem>> -> memref<1x256x64xf32, #tpu.memory_space<vmem>>
          %dma_start3A_285 = tpu.memref_squeeze %dma_start3A_284 : memref<1x256x64xf32, #tpu.memory_space<vmem>> -> memref<256x64xf32, #tpu.memory_space<vmem>>
          %dma_start3A_286 = arith.constant 0 : i32
          %dma_start3A_287 = tpu.memref_slice %dma_start3A_285[%add3A_272, %dma_start3A_286] : memref<256x64xf32, #tpu.memory_space<vmem>> -> memref<1x64xf32, #tpu.memory_space<vmem>>
          %dma_start3A_288 = arith.constant 0 : i32
          %dma_start3A_289 = tpu.memref_slice %arg2[%squeeze3A_268, %dma_start3A_288] : memref<1000000x64xf32, #tpu.memory_space<hbm>> -> memref<1x64xf32, #tpu.memory_space<hbm>>
          tpu.enqueue_dma source(%dma_start3A_289 : memref<1x64xf32, #tpu.memory_space<hbm>>) target(%dma_start3A_287 : memref<1x64xf32, #tpu.memory_space<vmem>>) target_semaphore(%arg7 : memref<!tpu.dma_semaphore, #tpu.memory_space<semaphore_mem>>)
          %slice3A_290 = vector.extract_strided_slice %get3A_153 {offsets = [6], sizes = [1], strides = [1]} : vector<16xi32> to vector<1xi32>
          %squeeze3A_291 = vector.extract %slice3A_290[0] : i32 from vector<1xi32>
          %mul3A_292 = arith.constant 16 : i32
          %mul3A_293 = arith.muli %add3A_148, %mul3A_292 : i32
          %add3A_294 = arith.constant 6 : i32
          %add3A_295 = arith.addi %mul3A_293, %add3A_294 : i32
          %dma_start3A_296 = arith.constant 0 : i32
          %dma_start3A_297 = arith.constant 0 : i32
          %dma_start3A_298 = arith.constant 0 : i32
          %dma_start3A_299 = tpu.memref_slice %arg6[%dma_start3A_296, %dma_start3A_297, %dma_start3A_298] : memref<2x256x64xf32, #tpu.memory_space<vmem>> -> memref<1x256x64xf32, #tpu.memory_space<vmem>>
          %dma_start3A_300 = tpu.memref_squeeze %dma_start3A_299 : memref<1x256x64xf32, #tpu.memory_space<vmem>> -> memref<256x64xf32, #tpu.memory_space<vmem>>
          %dma_start3A_301 = arith.constant 0 : i32
          %dma_start3A_302 = tpu.memref_slice %dma_start3A_300[%add3A_295, %dma_start3A_301] : memref<256x64xf32, #tpu.memory_space<vmem>> -> memref<1x64xf32, #tpu.memory_space<vmem>>
          %dma_start3A_303 = arith.constant 0 : i32
          %dma_start3A_304 = tpu.memref_slice %arg2[%squeeze3A_291, %dma_start3A_303] : memref<1000000x64xf32, #tpu.memory_space<hbm>> -> memref<1x64xf32, #tpu.memory_space<hbm>>
          %dma_start3A_305 = arith.constant 0 : i32
          %dma_start3A_306 = arith.constant 0 : i32
          %dma_start3A_307 = tpu.memref_slice %arg6[%dma_start3A_296, %dma_start3A_305, %dma_start3A_306] : memref<2x256x64xf32, #tpu.memory_space<vmem>> -> memref<1x256x64xf32, #tpu.memory_space<vmem>>
          %dma_start3A_308 = tpu.memref_squeeze %dma_start3A_307 : memref<1x256x64xf32, #tpu.memory_space<vmem>> -> memref<256x64xf32, #tpu.memory_space<vmem>>
          %dma_start3A_309 = arith.constant 0 : i32
          %dma_start3A_310 = tpu.memref_slice %dma_start3A_308[%add3A_295, %dma_start3A_309] : memref<256x64xf32, #tpu.memory_space<vmem>> -> memref<1x64xf32, #tpu.memory_space<vmem>>
          %dma_start3A_311 = arith.constant 0 : i32
          %dma_start3A_312 = tpu.memref_slice %arg2[%squeeze3A_291, %dma_start3A_311] : memref<1000000x64xf32, #tpu.memory_space<hbm>> -> memref<1x64xf32, #tpu.memory_space<hbm>>
          tpu.enqueue_dma source(%dma_start3A_312 : memref<1x64xf32, #tpu.memory_space<hbm>>) target(%dma_start3A_310 : memref<1x64xf32, #tpu.memory_space<vmem>>) target_semaphore(%arg7 : memref<!tpu.dma_semaphore, #tpu.memory_space<semaphore_mem>>)
          %slice3A_313 = vector.extract_strided_slice %get3A_153 {offsets = [7], sizes = [1], strides = [1]} : vector<16xi32> to vector<1xi32>
          %squeeze3A_314 = vector.extract %slice3A_313[0] : i32 from vector<1xi32>
          %mul3A_315 = arith.constant 16 : i32
          %mul3A_316 = arith.muli %add3A_148, %mul3A_315 : i32
          %add3A_317 = arith.constant 7 : i32
          %add3A_318 = arith.addi %mul3A_316, %add3A_317 : i32
          %dma_start3A_319 = arith.constant 0 : i32
          %dma_start3A_320 = arith.constant 0 : i32
          %dma_start3A_321 = arith.constant 0 : i32
          %dma_start3A_322 = tpu.memref_slice %arg6[%dma_start3A_319, %dma_start3A_320, %dma_start3A_321] : memref<2x256x64xf32, #tpu.memory_space<vmem>> -> memref<1x256x64xf32, #tpu.memory_space<vmem>>
          %dma_start3A_323 = tpu.memref_squeeze %dma_start3A_322 : memref<1x256x64xf32, #tpu.memory_space<vmem>> -> memref<256x64xf32, #tpu.memory_space<vmem>>
          %dma_start3A_324 = arith.constant 0 : i32
          %dma_start3A_325 = tpu.memref_slice %dma_start3A_323[%add3A_318, %dma_start3A_324] : memref<256x64xf32, #tpu.memory_space<vmem>> -> memref<1x64xf32, #tpu.memory_space<vmem>>
          %dma_start3A_326 = arith.constant 0 : i32
          %dma_start3A_327 = tpu.memref_slice %arg2[%squeeze3A_314, %dma_start3A_326] : memref<1000000x64xf32, #tpu.memory_space<hbm>> -> memref<1x64xf32, #tpu.memory_space<hbm>>
          %dma_start3A_328 = arith.constant 0 : i32
          %dma_start3A_329 = arith.constant 0 : i32
          %dma_start3A_330 = tpu.memref_slice %arg6[%dma_start3A_319, %dma_start3A_328, %dma_start3A_329] : memref<2x256x64xf32, #tpu.memory_space<vmem>> -> memref<1x256x64xf32, #tpu.memory_space<vmem>>
          %dma_start3A_331 = tpu.memref_squeeze %dma_start3A_330 : memref<1x256x64xf32, #tpu.memory_space<vmem>> -> memref<256x64xf32, #tpu.memory_space<vmem>>
          %dma_start3A_332 = arith.constant 0 : i32
          %dma_start3A_333 = tpu.memref_slice %dma_start3A_331[%add3A_318, %dma_start3A_332] : memref<256x64xf32, #tpu.memory_space<vmem>> -> memref<1x64xf32, #tpu.memory_space<vmem>>
          %dma_start3A_334 = arith.constant 0 : i32
          %dma_start3A_335 = tpu.memref_slice %arg2[%squeeze3A_314, %dma_start3A_334] : memref<1000000x64xf32, #tpu.memory_space<hbm>> -> memref<1x64xf32, #tpu.memory_space<hbm>>
          tpu.enqueue_dma source(%dma_start3A_335 : memref<1x64xf32, #tpu.memory_space<hbm>>) target(%dma_start3A_333 : memref<1x64xf32, #tpu.memory_space<vmem>>) target_semaphore(%arg7 : memref<!tpu.dma_semaphore, #tpu.memory_space<semaphore_mem>>)
          %slice3A_336 = vector.extract_strided_slice %get3A_153 {offsets = [8], sizes = [1], strides = [1]} : vector<16xi32> to vector<1xi32>
          %squeeze3A_337 = vector.extract %slice3A_336[0] : i32 from vector<1xi32>
          %mul3A_338 = arith.constant 16 : i32
          %mul3A_339 = arith.muli %add3A_148, %mul3A_338 : i32
          %add3A_340 = arith.constant 8 : i32
          %add3A_341 = arith.addi %mul3A_339, %add3A_340 : i32
          %dma_start3A_342 = arith.constant 0 : i32
          %dma_start3A_343 = arith.constant 0 : i32
          %dma_start3A_344 = arith.constant 0 : i32
          %dma_start3A_345 = tpu.memref_slice %arg6[%dma_start3A_342, %dma_start3A_343, %dma_start3A_344] : memref<2x256x64xf32, #tpu.memory_space<vmem>> -> memref<1x256x64xf32, #tpu.memory_space<vmem>>
          %dma_start3A_346 = tpu.memref_squeeze %dma_start3A_345 : memref<1x256x64xf32, #tpu.memory_space<vmem>> -> memref<256x64xf32, #tpu.memory_space<vmem>>
          %dma_start3A_347 = arith.constant 0 : i32
          %dma_start3A_348 = tpu.memref_slice %dma_start3A_346[%add3A_341, %dma_start3A_347] : memref<256x64xf32, #tpu.memory_space<vmem>> -> memref<1x64xf32, #tpu.memory_space<vmem>>
          %dma_start3A_349 = arith.constant 0 : i32
          %dma_start3A_350 = tpu.memref_slice %arg2[%squeeze3A_337, %dma_start3A_349] : memref<1000000x64xf32, #tpu.memory_space<hbm>> -> memref<1x64xf32, #tpu.memory_space<hbm>>
          %dma_start3A_351 = arith.constant 0 : i32
          %dma_start3A_352 = arith.constant 0 : i32
          %dma_start3A_353 = tpu.memref_slice %arg6[%dma_start3A_342, %dma_start3A_351, %dma_start3A_352] : memref<2x256x64xf32, #tpu.memory_space<vmem>> -> memref<1x256x64xf32, #tpu.memory_space<vmem>>
          %dma_start3A_354 = tpu.memref_squeeze %dma_start3A_353 : memref<1x256x64xf32, #tpu.memory_space<vmem>> -> memref<256x64xf32, #tpu.memory_space<vmem>>
          %dma_start3A_355 = arith.constant 0 : i32
          %dma_start3A_356 = tpu.memref_slice %dma_start3A_354[%add3A_341, %dma_start3A_355] : memref<256x64xf32, #tpu.memory_space<vmem>> -> memref<1x64xf32, #tpu.memory_space<vmem>>
          %dma_start3A_357 = arith.constant 0 : i32
          %dma_start3A_358 = tpu.memref_slice %arg2[%squeeze3A_337, %dma_start3A_357] : memref<1000000x64xf32, #tpu.memory_space<hbm>> -> memref<1x64xf32, #tpu.memory_space<hbm>>
          tpu.enqueue_dma source(%dma_start3A_358 : memref<1x64xf32, #tpu.memory_space<hbm>>) target(%dma_start3A_356 : memref<1x64xf32, #tpu.memory_space<vmem>>) target_semaphore(%arg7 : memref<!tpu.dma_semaphore, #tpu.memory_space<semaphore_mem>>)
          %slice3A_359 = vector.extract_strided_slice %get3A_153 {offsets = [9], sizes = [1], strides = [1]} : vector<16xi32> to vector<1xi32>
          %squeeze3A_360 = vector.extract %slice3A_359[0] : i32 from vector<1xi32>
          %mul3A_361 = arith.constant 16 : i32
          %mul3A_362 = arith.muli %add3A_148, %mul3A_361 : i32
          %add3A_363 = arith.constant 9 : i32
          %add3A_364 = arith.addi %mul3A_362, %add3A_363 : i32
          %dma_start3A_365 = arith.constant 0 : i32
          %dma_start3A_366 = arith.constant 0 : i32
          %dma_start3A_367 = arith.constant 0 : i32
          %dma_start3A_368 = tpu.memref_slice %arg6[%dma_start3A_365, %dma_start3A_366, %dma_start3A_367] : memref<2x256x64xf32, #tpu.memory_space<vmem>> -> memref<1x256x64xf32, #tpu.memory_space<vmem>>
          %dma_start3A_369 = tpu.memref_squeeze %dma_start3A_368 : memref<1x256x64xf32, #tpu.memory_space<vmem>> -> memref<256x64xf32, #tpu.memory_space<vmem>>
          %dma_start3A_370 = arith.constant 0 : i32
          %dma_start3A_371 = tpu.memref_slice %dma_start3A_369[%add3A_364, %dma_start3A_370] : memref<256x64xf32, #tpu.memory_space<vmem>> -> memref<1x64xf32, #tpu.memory_space<vmem>>
          %dma_start3A_372 = arith.constant 0 : i32
          %dma_start3A_373 = tpu.memref_slice %arg2[%squeeze3A_360, %dma_start3A_372] : memref<1000000x64xf32, #tpu.memory_space<hbm>> -> memref<1x64xf32, #tpu.memory_space<hbm>>
          %dma_start3A_374 = arith.constant 0 : i32
          %dma_start3A_375 = arith.constant 0 : i32
          %dma_start3A_376 = tpu.memref_slice %arg6[%dma_start3A_365, %dma_start3A_374, %dma_start3A_375] : memref<2x256x64xf32, #tpu.memory_space<vmem>> -> memref<1x256x64xf32, #tpu.memory_space<vmem>>
          %dma_start3A_377 = tpu.memref_squeeze %dma_start3A_376 : memref<1x256x64xf32, #tpu.memory_space<vmem>> -> memref<256x64xf32, #tpu.memory_space<vmem>>
          %dma_start3A_378 = arith.constant 0 : i32
          %dma_start3A_379 = tpu.memref_slice %dma_start3A_377[%add3A_364, %dma_start3A_378] : memref<256x64xf32, #tpu.memory_space<vmem>> -> memref<1x64xf32, #tpu.memory_space<vmem>>
          %dma_start3A_380 = arith.constant 0 : i32
          %dma_start3A_381 = tpu.memref_slice %arg2[%squeeze3A_360, %dma_start3A_380] : memref<1000000x64xf32, #tpu.memory_space<hbm>> -> memref<1x64xf32, #tpu.memory_space<hbm>>
          tpu.enqueue_dma source(%dma_start3A_381 : memref<1x64xf32, #tpu.memory_space<hbm>>) target(%dma_start3A_379 : memref<1x64xf32, #tpu.memory_space<vmem>>) target_semaphore(%arg7 : memref<!tpu.dma_semaphore, #tpu.memory_space<semaphore_mem>>)
          %slice3A_382 = vector.extract_strided_slice %get3A_153 {offsets = [10], sizes = [1], strides = [1]} : vector<16xi32> to vector<1xi32>
          %squeeze3A_383 = vector.extract %slice3A_382[0] : i32 from vector<1xi32>
          %mul3A_384 = arith.constant 16 : i32
          %mul3A_385 = arith.muli %add3A_148, %mul3A_384 : i32
          %add3A_386 = arith.constant 10 : i32
          %add3A_387 = arith.addi %mul3A_385, %add3A_386 : i32
          %dma_start3A_388 = arith.constant 0 : i32
          %dma_start3A_389 = arith.constant 0 : i32
          %dma_start3A_390 = arith.constant 0 : i32
          %dma_start3A_391 = tpu.memref_slice %arg6[%dma_start3A_388, %dma_start3A_389, %dma_start3A_390] : memref<2x256x64xf32, #tpu.memory_space<vmem>> -> memref<1x256x64xf32, #tpu.memory_space<vmem>>
          %dma_start3A_392 = tpu.memref_squeeze %dma_start3A_391 : memref<1x256x64xf32, #tpu.memory_space<vmem>> -> memref<256x64xf32, #tpu.memory_space<vmem>>
          %dma_start3A_393 = arith.constant 0 : i32
          %dma_start3A_394 = tpu.memref_slice %dma_start3A_392[%add3A_387, %dma_start3A_393] : memref<256x64xf32, #tpu.memory_space<vmem>> -> memref<1x64xf32, #tpu.memory_space<vmem>>
          %dma_start3A_395 = arith.constant 0 : i32
          %dma_start3A_396 = tpu.memref_slice %arg2[%squeeze3A_383, %dma_start3A_395] : memref<1000000x64xf32, #tpu.memory_space<hbm>> -> memref<1x64xf32, #tpu.memory_space<hbm>>
          %dma_start3A_397 = arith.constant 0 : i32
          %dma_start3A_398 = arith.constant 0 : i32
          %dma_start3A_399 = tpu.memref_slice %arg6[%dma_start3A_388, %dma_start3A_397, %dma_start3A_398] : memref<2x256x64xf32, #tpu.memory_space<vmem>> -> memref<1x256x64xf32, #tpu.memory_space<vmem>>
          %dma_start3A_400 = tpu.memref_squeeze %dma_start3A_399 : memref<1x256x64xf32, #tpu.memory_space<vmem>> -> memref<256x64xf32, #tpu.memory_space<vmem>>
          %dma_start3A_401 = arith.constant 0 : i32
          %dma_start3A_402 = tpu.memref_slice %dma_start3A_400[%add3A_387, %dma_start3A_401] : memref<256x64xf32, #tpu.memory_space<vmem>> -> memref<1x64xf32, #tpu.memory_space<vmem>>
          %dma_start3A_403 = arith.constant 0 : i32
          %dma_start3A_404 = tpu.memref_slice %arg2[%squeeze3A_383, %dma_start3A_403] : memref<1000000x64xf32, #tpu.memory_space<hbm>> -> memref<1x64xf32, #tpu.memory_space<hbm>>
          tpu.enqueue_dma source(%dma_start3A_404 : memref<1x64xf32, #tpu.memory_space<hbm>>) target(%dma_start3A_402 : memref<1x64xf32, #tpu.memory_space<vmem>>) target_semaphore(%arg7 : memref<!tpu.dma_semaphore, #tpu.memory_space<semaphore_mem>>)
          %slice3A_405 = vector.extract_strided_slice %get3A_153 {offsets = [11], sizes = [1], strides = [1]} : vector<16xi32> to vector<1xi32>
          %squeeze3A_406 = vector.extract %slice3A_405[0] : i32 from vector<1xi32>
          %mul3A_407 = arith.constant 16 : i32
          %mul3A_408 = arith.muli %add3A_148, %mul3A_407 : i32
          %add3A_409 = arith.constant 11 : i32
          %add3A_410 = arith.addi %mul3A_408, %add3A_409 : i32
          %dma_start3A_411 = arith.constant 0 : i32
          %dma_start3A_412 = arith.constant 0 : i32
          %dma_start3A_413 = arith.constant 0 : i32
          %dma_start3A_414 = tpu.memref_slice %arg6[%dma_start3A_411, %dma_start3A_412, %dma_start3A_413] : memref<2x256x64xf32, #tpu.memory_space<vmem>> -> memref<1x256x64xf32, #tpu.memory_space<vmem>>
          %dma_start3A_415 = tpu.memref_squeeze %dma_start3A_414 : memref<1x256x64xf32, #tpu.memory_space<vmem>> -> memref<256x64xf32, #tpu.memory_space<vmem>>
          %dma_start3A_416 = arith.constant 0 : i32
          %dma_start3A_417 = tpu.memref_slice %dma_start3A_415[%add3A_410, %dma_start3A_416] : memref<256x64xf32, #tpu.memory_space<vmem>> -> memref<1x64xf32, #tpu.memory_space<vmem>>
          %dma_start3A_418 = arith.constant 0 : i32
          %dma_start3A_419 = tpu.memref_slice %arg2[%squeeze3A_406, %dma_start3A_418] : memref<1000000x64xf32, #tpu.memory_space<hbm>> -> memref<1x64xf32, #tpu.memory_space<hbm>>
          %dma_start3A_420 = arith.constant 0 : i32
          %dma_start3A_421 = arith.constant 0 : i32
          %dma_start3A_422 = tpu.memref_slice %arg6[%dma_start3A_411, %dma_start3A_420, %dma_start3A_421] : memref<2x256x64xf32, #tpu.memory_space<vmem>> -> memref<1x256x64xf32, #tpu.memory_space<vmem>>
          %dma_start3A_423 = tpu.memref_squeeze %dma_start3A_422 : memref<1x256x64xf32, #tpu.memory_space<vmem>> -> memref<256x64xf32, #tpu.memory_space<vmem>>
          %dma_start3A_424 = arith.constant 0 : i32
          %dma_start3A_425 = tpu.memref_slice %dma_start3A_423[%add3A_410, %dma_start3A_424] : memref<256x64xf32, #tpu.memory_space<vmem>> -> memref<1x64xf32, #tpu.memory_space<vmem>>
          %dma_start3A_426 = arith.constant 0 : i32
          %dma_start3A_427 = tpu.memref_slice %arg2[%squeeze3A_406, %dma_start3A_426] : memref<1000000x64xf32, #tpu.memory_space<hbm>> -> memref<1x64xf32, #tpu.memory_space<hbm>>
          tpu.enqueue_dma source(%dma_start3A_427 : memref<1x64xf32, #tpu.memory_space<hbm>>) target(%dma_start3A_425 : memref<1x64xf32, #tpu.memory_space<vmem>>) target_semaphore(%arg7 : memref<!tpu.dma_semaphore, #tpu.memory_space<semaphore_mem>>)
          %slice3A_428 = vector.extract_strided_slice %get3A_153 {offsets = [12], sizes = [1], strides = [1]} : vector<16xi32> to vector<1xi32>
          %squeeze3A_429 = vector.extract %slice3A_428[0] : i32 from vector<1xi32>
          %mul3A_430 = arith.constant 16 : i32
          %mul3A_431 = arith.muli %add3A_148, %mul3A_430 : i32
          %add3A_432 = arith.constant 12 : i32
          %add3A_433 = arith.addi %mul3A_431, %add3A_432 : i32
          %dma_start3A_434 = arith.constant 0 : i32
          %dma_start3A_435 = arith.constant 0 : i32
          %dma_start3A_436 = arith.constant 0 : i32
          %dma_start3A_437 = tpu.memref_slice %arg6[%dma_start3A_434, %dma_start3A_435, %dma_start3A_436] : memref<2x256x64xf32, #tpu.memory_space<vmem>> -> memref<1x256x64xf32, #tpu.memory_space<vmem>>
          %dma_start3A_438 = tpu.memref_squeeze %dma_start3A_437 : memref<1x256x64xf32, #tpu.memory_space<vmem>> -> memref<256x64xf32, #tpu.memory_space<vmem>>
          %dma_start3A_439 = arith.constant 0 : i32
          %dma_start3A_440 = tpu.memref_slice %dma_start3A_438[%add3A_433, %dma_start3A_439] : memref<256x64xf32, #tpu.memory_space<vmem>> -> memref<1x64xf32, #tpu.memory_space<vmem>>
          %dma_start3A_441 = arith.constant 0 : i32
          %dma_start3A_442 = tpu.memref_slice %arg2[%squeeze3A_429, %dma_start3A_441] : memref<1000000x64xf32, #tpu.memory_space<hbm>> -> memref<1x64xf32, #tpu.memory_space<hbm>>
          %dma_start3A_443 = arith.constant 0 : i32
          %dma_start3A_444 = arith.constant 0 : i32
          %dma_start3A_445 = tpu.memref_slice %arg6[%dma_start3A_434, %dma_start3A_443, %dma_start3A_444] : memref<2x256x64xf32, #tpu.memory_space<vmem>> -> memref<1x256x64xf32, #tpu.memory_space<vmem>>
          %dma_start3A_446 = tpu.memref_squeeze %dma_start3A_445 : memref<1x256x64xf32, #tpu.memory_space<vmem>> -> memref<256x64xf32, #tpu.memory_space<vmem>>
          %dma_start3A_447 = arith.constant 0 : i32
          %dma_start3A_448 = tpu.memref_slice %dma_start3A_446[%add3A_433, %dma_start3A_447] : memref<256x64xf32, #tpu.memory_space<vmem>> -> memref<1x64xf32, #tpu.memory_space<vmem>>
          %dma_start3A_449 = arith.constant 0 : i32
          %dma_start3A_450 = tpu.memref_slice %arg2[%squeeze3A_429, %dma_start3A_449] : memref<1000000x64xf32, #tpu.memory_space<hbm>> -> memref<1x64xf32, #tpu.memory_space<hbm>>
          tpu.enqueue_dma source(%dma_start3A_450 : memref<1x64xf32, #tpu.memory_space<hbm>>) target(%dma_start3A_448 : memref<1x64xf32, #tpu.memory_space<vmem>>) target_semaphore(%arg7 : memref<!tpu.dma_semaphore, #tpu.memory_space<semaphore_mem>>)
          %slice3A_451 = vector.extract_strided_slice %get3A_153 {offsets = [13], sizes = [1], strides = [1]} : vector<16xi32> to vector<1xi32>
          %squeeze3A_452 = vector.extract %slice3A_451[0] : i32 from vector<1xi32>
          %mul3A_453 = arith.constant 16 : i32
          %mul3A_454 = arith.muli %add3A_148, %mul3A_453 : i32
          %add3A_455 = arith.constant 13 : i32
          %add3A_456 = arith.addi %mul3A_454, %add3A_455 : i32
          %dma_start3A_457 = arith.constant 0 : i32
          %dma_start3A_458 = arith.constant 0 : i32
          %dma_start3A_459 = arith.constant 0 : i32
          %dma_start3A_460 = tpu.memref_slice %arg6[%dma_start3A_457, %dma_start3A_458, %dma_start3A_459] : memref<2x256x64xf32, #tpu.memory_space<vmem>> -> memref<1x256x64xf32, #tpu.memory_space<vmem>>
          %dma_start3A_461 = tpu.memref_squeeze %dma_start3A_460 : memref<1x256x64xf32, #tpu.memory_space<vmem>> -> memref<256x64xf32, #tpu.memory_space<vmem>>
          %dma_start3A_462 = arith.constant 0 : i32
          %dma_start3A_463 = tpu.memref_slice %dma_start3A_461[%add3A_456, %dma_start3A_462] : memref<256x64xf32, #tpu.memory_space<vmem>> -> memref<1x64xf32, #tpu.memory_space<vmem>>
          %dma_start3A_464 = arith.constant 0 : i32
          %dma_start3A_465 = tpu.memref_slice %arg2[%squeeze3A_452, %dma_start3A_464] : memref<1000000x64xf32, #tpu.memory_space<hbm>> -> memref<1x64xf32, #tpu.memory_space<hbm>>
          %dma_start3A_466 = arith.constant 0 : i32
          %dma_start3A_467 = arith.constant 0 : i32
          %dma_start3A_468 = tpu.memref_slice %arg6[%dma_start3A_457, %dma_start3A_466, %dma_start3A_467] : memref<2x256x64xf32, #tpu.memory_space<vmem>> -> memref<1x256x64xf32, #tpu.memory_space<vmem>>
          %dma_start3A_469 = tpu.memref_squeeze %dma_start3A_468 : memref<1x256x64xf32, #tpu.memory_space<vmem>> -> memref<256x64xf32, #tpu.memory_space<vmem>>
          %dma_start3A_470 = arith.constant 0 : i32
          %dma_start3A_471 = tpu.memref_slice %dma_start3A_469[%add3A_456, %dma_start3A_470] : memref<256x64xf32, #tpu.memory_space<vmem>> -> memref<1x64xf32, #tpu.memory_space<vmem>>
          %dma_start3A_472 = arith.constant 0 : i32
          %dma_start3A_473 = tpu.memref_slice %arg2[%squeeze3A_452, %dma_start3A_472] : memref<1000000x64xf32, #tpu.memory_space<hbm>> -> memref<1x64xf32, #tpu.memory_space<hbm>>
          tpu.enqueue_dma source(%dma_start3A_473 : memref<1x64xf32, #tpu.memory_space<hbm>>) target(%dma_start3A_471 : memref<1x64xf32, #tpu.memory_space<vmem>>) target_semaphore(%arg7 : memref<!tpu.dma_semaphore, #tpu.memory_space<semaphore_mem>>)
          %slice3A_474 = vector.extract_strided_slice %get3A_153 {offsets = [14], sizes = [1], strides = [1]} : vector<16xi32> to vector<1xi32>
          %squeeze3A_475 = vector.extract %slice3A_474[0] : i32 from vector<1xi32>
          %mul3A_476 = arith.constant 16 : i32
          %mul3A_477 = arith.muli %add3A_148, %mul3A_476 : i32
          %add3A_478 = arith.constant 14 : i32
          %add3A_479 = arith.addi %mul3A_477, %add3A_478 : i32
          %dma_start3A_480 = arith.constant 0 : i32
          %dma_start3A_481 = arith.constant 0 : i32
          %dma_start3A_482 = arith.constant 0 : i32
          %dma_start3A_483 = tpu.memref_slice %arg6[%dma_start3A_480, %dma_start3A_481, %dma_start3A_482] : memref<2x256x64xf32, #tpu.memory_space<vmem>> -> memref<1x256x64xf32, #tpu.memory_space<vmem>>
          %dma_start3A_484 = tpu.memref_squeeze %dma_start3A_483 : memref<1x256x64xf32, #tpu.memory_space<vmem>> -> memref<256x64xf32, #tpu.memory_space<vmem>>
          %dma_start3A_485 = arith.constant 0 : i32
          %dma_start3A_486 = tpu.memref_slice %dma_start3A_484[%add3A_479, %dma_start3A_485] : memref<256x64xf32, #tpu.memory_space<vmem>> -> memref<1x64xf32, #tpu.memory_space<vmem>>
          %dma_start3A_487 = arith.constant 0 : i32
          %dma_start3A_488 = tpu.memref_slice %arg2[%squeeze3A_475, %dma_start3A_487] : memref<1000000x64xf32, #tpu.memory_space<hbm>> -> memref<1x64xf32, #tpu.memory_space<hbm>>
          %dma_start3A_489 = arith.constant 0 : i32
          %dma_start3A_490 = arith.constant 0 : i32
          %dma_start3A_491 = tpu.memref_slice %arg6[%dma_start3A_480, %dma_start3A_489, %dma_start3A_490] : memref<2x256x64xf32, #tpu.memory_space<vmem>> -> memref<1x256x64xf32, #tpu.memory_space<vmem>>
          %dma_start3A_492 = tpu.memref_squeeze %dma_start3A_491 : memref<1x256x64xf32, #tpu.memory_space<vmem>> -> memref<256x64xf32, #tpu.memory_space<vmem>>
          %dma_start3A_493 = arith.constant 0 : i32
          %dma_start3A_494 = tpu.memref_slice %dma_start3A_492[%add3A_479, %dma_start3A_493] : memref<256x64xf32, #tpu.memory_space<vmem>> -> memref<1x64xf32, #tpu.memory_space<vmem>>
          %dma_start3A_495 = arith.constant 0 : i32
          %dma_start3A_496 = tpu.memref_slice %arg2[%squeeze3A_475, %dma_start3A_495] : memref<1000000x64xf32, #tpu.memory_space<hbm>> -> memref<1x64xf32, #tpu.memory_space<hbm>>
          tpu.enqueue_dma source(%dma_start3A_496 : memref<1x64xf32, #tpu.memory_space<hbm>>) target(%dma_start3A_494 : memref<1x64xf32, #tpu.memory_space<vmem>>) target_semaphore(%arg7 : memref<!tpu.dma_semaphore, #tpu.memory_space<semaphore_mem>>)
          %slice3A_497 = vector.extract_strided_slice %get3A_153 {offsets = [15], sizes = [1], strides = [1]} : vector<16xi32> to vector<1xi32>
          %squeeze3A_498 = vector.extract %slice3A_497[0] : i32 from vector<1xi32>
          %mul3A_499 = arith.constant 16 : i32
          %mul3A_500 = arith.muli %add3A_148, %mul3A_499 : i32
          %add3A_501 = arith.constant 15 : i32
          %add3A_502 = arith.addi %mul3A_500, %add3A_501 : i32
          %dma_start3A_503 = arith.constant 0 : i32
          %dma_start3A_504 = arith.constant 0 : i32
          %dma_start3A_505 = arith.constant 0 : i32
          %dma_start3A_506 = tpu.memref_slice %arg6[%dma_start3A_503, %dma_start3A_504, %dma_start3A_505] : memref<2x256x64xf32, #tpu.memory_space<vmem>> -> memref<1x256x64xf32, #tpu.memory_space<vmem>>
          %dma_start3A_507 = tpu.memref_squeeze %dma_start3A_506 : memref<1x256x64xf32, #tpu.memory_space<vmem>> -> memref<256x64xf32, #tpu.memory_space<vmem>>
          %dma_start3A_508 = arith.constant 0 : i32
          %dma_start3A_509 = tpu.memref_slice %dma_start3A_507[%add3A_502, %dma_start3A_508] : memref<256x64xf32, #tpu.memory_space<vmem>> -> memref<1x64xf32, #tpu.memory_space<vmem>>
          %dma_start3A_510 = arith.constant 0 : i32
          %dma_start3A_511 = tpu.memref_slice %arg2[%squeeze3A_498, %dma_start3A_510] : memref<1000000x64xf32, #tpu.memory_space<hbm>> -> memref<1x64xf32, #tpu.memory_space<hbm>>
          %dma_start3A_512 = arith.constant 0 : i32
          %dma_start3A_513 = arith.constant 0 : i32
          %dma_start3A_514 = tpu.memref_slice %arg6[%dma_start3A_503, %dma_start3A_512, %dma_start3A_513] : memref<2x256x64xf32, #tpu.memory_space<vmem>> -> memref<1x256x64xf32, #tpu.memory_space<vmem>>
          %dma_start3A_515 = tpu.memref_squeeze %dma_start3A_514 : memref<1x256x64xf32, #tpu.memory_space<vmem>> -> memref<256x64xf32, #tpu.memory_space<vmem>>
          %dma_start3A_516 = arith.constant 0 : i32
          %dma_start3A_517 = tpu.memref_slice %dma_start3A_515[%add3A_502, %dma_start3A_516] : memref<256x64xf32, #tpu.memory_space<vmem>> -> memref<1x64xf32, #tpu.memory_space<vmem>>
          %dma_start3A_518 = arith.constant 0 : i32
          %dma_start3A_519 = tpu.memref_slice %arg2[%squeeze3A_498, %dma_start3A_518] : memref<1000000x64xf32, #tpu.memory_space<hbm>> -> memref<1x64xf32, #tpu.memory_space<hbm>>
          tpu.enqueue_dma source(%dma_start3A_519 : memref<1x64xf32, #tpu.memory_space<hbm>>) target(%dma_start3A_517 : memref<1x64xf32, #tpu.memory_space<vmem>>) target_semaphore(%arg7 : memref<!tpu.dma_semaphore, #tpu.memory_space<semaphore_mem>>)
        }
        %scan3A_143 = arith.constant 16 : i32
      } else {
      }
    }
    %scan3A_11 = arith.constant 50 : i32
    %dma_wait3A = arith.constant 0 : i32
    %dma_wait3A_12 = arith.constant 0 : i32
    %dma_wait3A_13 = arith.constant 0 : i32
    %dma_wait3A_14 = tpu.memref_slice %arg6[%dma_wait3A, %dma_wait3A_12, %dma_wait3A_13] : memref<2x256x64xf32, #tpu.memory_space<vmem>> -> memref<1x256x64xf32, #tpu.memory_space<vmem>>
    %dma_wait3A_15 = tpu.memref_squeeze %dma_wait3A_14 : memref<1x256x64xf32, #tpu.memory_space<vmem>> -> memref<256x64xf32, #tpu.memory_space<vmem>>
    %dma_wait3A_16 = arith.constant 0 : i32
    %dma_wait3A_17 = tpu.memref_slice %arg4[%mul3A_2, %dma_wait3A_16] : memref<819200x64xf32, #tpu.memory_space<hbm>> -> memref<256x64xf32, #tpu.memory_space<hbm>>
    %dma_wait3A_18 = arith.constant 0 : i32
    %dma_wait3A_19 = tpu.memref_slice %arg4[%mul3A_2, %dma_wait3A_18] : memref<819200x64xf32, #tpu.memory_space<hbm>> -> memref<256x64xf32, #tpu.memory_space<hbm>>
    %dma_wait3A_20 = arith.constant 0 : i32
    %dma_wait3A_21 = arith.constant 0 : i32
    %dma_wait3A_22 = tpu.memref_slice %arg6[%dma_wait3A, %dma_wait3A_20, %dma_wait3A_21] : memref<2x256x64xf32, #tpu.memory_space<vmem>> -> memref<1x256x64xf32, #tpu.memory_space<vmem>>
    %dma_wait3A_23 = tpu.memref_squeeze %dma_wait3A_22 : memref<1x256x64xf32, #tpu.memory_space<vmem>> -> memref<256x64xf32, #tpu.memory_space<vmem>>
    tpu.wait_dma2 semaphore(%arg9 : memref<!tpu.dma_semaphore, #tpu.memory_space<semaphore_mem>>) src(%dma_wait3A_23 : memref<256x64xf32, #tpu.memory_space<vmem>>) dst(%dma_wait3A_19 : memref<256x64xf32, #tpu.memory_space<hbm>>)
    %dma_wait3A_24 = arith.constant 1 : i32
    %dma_wait3A_25 = arith.constant 0 : i32
    %dma_wait3A_26 = arith.constant 0 : i32
    %dma_wait3A_27 = tpu.memref_slice %arg6[%dma_wait3A_24, %dma_wait3A_25, %dma_wait3A_26] : memref<2x256x64xf32, #tpu.memory_space<vmem>> -> memref<1x256x64xf32, #tpu.memory_space<vmem>>
    %dma_wait3A_28 = tpu.memref_squeeze %dma_wait3A_27 : memref<1x256x64xf32, #tpu.memory_space<vmem>> -> memref<256x64xf32, #tpu.memory_space<vmem>>
    %dma_wait3A_29 = arith.constant 0 : i32
    %dma_wait3A_30 = tpu.memref_slice %arg4[%mul3A_2, %dma_wait3A_29] : memref<819200x64xf32, #tpu.memory_space<hbm>> -> memref<256x64xf32, #tpu.memory_space<hbm>>
    %dma_wait3A_31 = arith.constant 0 : i32
    %dma_wait3A_32 = tpu.memref_slice %arg4[%mul3A_2, %dma_wait3A_31] : memref<819200x64xf32, #tpu.memory_space<hbm>> -> memref<256x64xf32, #tpu.memory_space<hbm>>
    %dma_wait3A_33 = arith.constant 0 : i32
    %dma_wait3A_34 = arith.constant 0 : i32
    %dma_wait3A_35 = tpu.memref_slice %arg6[%dma_wait3A_24, %dma_wait3A_33, %dma_wait3A_34] : memref<2x256x64xf32, #tpu.memory_space<vmem>> -> memref<1x256x64xf32, #tpu.memory_space<vmem>>
    %dma_wait3A_36 = tpu.memref_squeeze %dma_wait3A_35 : memref<1x256x64xf32, #tpu.memory_space<vmem>> -> memref<256x64xf32, #tpu.memory_space<vmem>>
    tpu.wait_dma2 semaphore(%arg10 : memref<!tpu.dma_semaphore, #tpu.memory_space<semaphore_mem>>) src(%dma_wait3A_36 : memref<256x64xf32, #tpu.memory_space<vmem>>) dst(%dma_wait3A_32 : memref<256x64xf32, #tpu.memory_space<hbm>>)
    return
  }
}

</mosaic_0001>

<sc_bundles>
// kernel: _lookup.3.cloned.1.call-start
scs
__scs_entry_jumppad:
0x0: {  	(pc) =	sbr.rel $0x88, $3  }
0x1: {  	(tag) =	ssettag $0x0;
	lr =	simm.s32 $0x1  }
0x2: {  	[smem:$0x3F9F] =	sst lr;
	_ =	strace $0xD0000000  }
0x3: {  	_ = 	snop  }
0x4: {  	_ = 	snop  }
0x5: {  	_ = 	snop  }
0x6: {  	_ = 	snop  }
0x7: {  	_ = 	snop  }
__scs_overlays_trampoline_lowered:
0x8: {  	[smem:$0x3FAE] =	sst s0  }
0x9: {  	[smem:$0x3FAF] =	sst s1  }
0xa: {  	[smem:$0x3FB0] =	sst s2  }
0xb: {  	[smem:$0x3FB1] =	sst s3  }
0xc: {  	[smem:$0x3FB2] =	sst s4  }
0xd: {  	[smem:$0x3FB3] =	sst s5  }
0xe: {  	[smem:$0x3FB4] =	sst s6  }
0xf: {  	[smem:$0x3FB5] =	sst s7  }
0x10: {  	[smem:$0x3FB6] =	sst s8  }
0x11: {  	[smem:$0x3FB7] =	sst s9;
	s0 =	simm.s32 @!p0 $0x0  }
0x12: {  	s1 =	sld [smem:$0x3F9D];
	s0 =	simm.s32 @p0 $0x1  }
0x13: {  	[smem:$0x3FB8] =	sst s0;
	s0 =	simm.s32 @!p1 $0x0  }
0x14: {  	s2 =	sld [smem:$0x3F9C];
	s0 =	simm.s32 @p1 $0x1  }
0x15: {  	[smem:$0x3FB9] =	sst s0;
	s0 =	simm.s32 @!p2 $0x0  }
0x16: {  	s3 =	sld [smem:$0x3FDB];
	s0 =	simm.s32 @p2 $0x1  }
0x17: {  	s4 =	simm.s32 $0x1BF5;
	[smem:$0x3FBB] =	sst s0  }
0x18: {  	s0 =	sld [smem:$0x3F9E];
	_ =	swait.ge [sflag:s4], $0x0  }
0x19: {  	s7 =	sld [smem:$0x3F9F]  }
0x1a: {  	s8 =	sadd.s32 $0xFFFFE003, lr  }
0x1b: {  	s9 =	sadd.s32 $0xFFFFFEF7, lr;
	s5 =	simm.s32 $0xFFFFFFFF;
	p2 =	slt.u32 s8, $0xFFFFF086  }
0x1c: {  	p1 =	slt.u32 s9, $0xF7A;
	s5 =	simm.s32 @!p2 $0x0  }
0x1d: {  	s5 =	simm.s32 @p1 $0x1;
	p0 =	seq.s32 s7, s2  }
0x1e: {  	s7 =	smul.u32 @!p0 $0xF7A, s2;
	p2 =	seq.s32 @!p0 s5, $0x0  }
0x1f: {  	s9 =	smul.u32 $0xF7A, s1;
	s8 =	simm.s32 @!p0 $0x1BF5;
	p2 =	por !p2, p0  }
0x20: {  	[sflag:s8] =	ssyncset.s32 @!p0 $0xFFFFF086;
	s6 =	sadd.s32 @!p0 s3, s7;
	s7 =	simm.s32 @!p0 $0x108  }
0x21: {  	s3 =	sadd.s32 s3, s9;
	s6 =	sadd.s32 @!p0 $0x88, s6;
	s7 =	simm.s32 @p2 $0x1082  }
0x22: {  	[simem:s7], [sflag:s8] =	dma.local @!p0 [hbm:s6], $0xF7A  }
0x23: {  	s9 =	sor.u32 $0xD0000000, s2;
	s6 =	simm.s32 $0x108;
	_ =	swait.ge @!p0 [sflag:s8], $0x0  }
0x24: {  	s3 =	sadd.s32 $0x88, s3;
	s6 =	simm.s32 @!p1 $0x1082;
	[sflag:s4] =	ssyncset.s32 $0xFFFFF086  }
0x25: {  	[simem:s6], [sflag:s4] =	dma.local [hbm:s3], $0xF7A  }
0x26: {  	[smem:$0x3F9F] =	sst s1;
	(tag) =	ssettag s2;
	_ =	strace s9  }
0x27: {  	s1 =	sld [smem:$0x3FAF]  }
0x28: {  	s2 =	sld [smem:$0x3FB0]  }
0x29: {  	s4 =	sld [smem:$0x3FB2]  }
0x2a: {  	p0 =	seq.s32 s5, $0x0;
	s5 =	sld [smem:$0x3FB3]  }
0x2b: {  	s6 =	sld [smem:$0x3FB4]  }
0x2c: {  	s7 =	sld [smem:$0x3FB5]  }
0x2d: {  	s3 =	simm.s32 $0x108;
	s8 =	sld [smem:$0x3FB6]  }
0x2e: {  	s3 =	simm.s32 @!p0 $0x1082;
	s9 =	sld [smem:$0x3FB7]  }
0x2f: {  	lr =	sadd.s32 s0, s3;
	s0 =	sld [smem:$0x3FAE]  }
0x30: {  	s3 =	sld [smem:$0x3FB1]  }
0x31: {  	[smem:$0x3FBA] =	sst s10  }
0x32: {  	s10 =	sld [smem:$0x3FB8];
	_ =	sdelay $0x3  }
0x33: {  	p0 =	seq.s32 s10, $0x1;
	s10 =	sld [smem:$0x3FBA];
	_ =	sdelay $0x3  }
0x34: {  	[smem:$0x3FBA] =	sst s10  }
0x35: {  	s10 =	sld [smem:$0x3FB9];
	_ =	sdelay $0x3  }
0x36: {  	p1 =	seq.s32 s10, $0x1;
	s10 =	sld [smem:$0x3FBA];
	_ =	sdelay $0x3  }
0x37: {  	[smem:$0x3FBA] =	sst s10  }
0x38: {  	s10 =	sld [smem:$0x3FBB]  }
0x39: {  	_ = 	snop;
	(pc) =	sbr.ind lr, $3  }
0x3a: {  	_ = 	snop  }
0x3b: {  	_ = 	snop  }
0x3c: {  	p2 =	seq.s32 s10, $0x1;
	s10 =	sld [smem:$0x3FBA]  }
0x3d: {  	_ =	shalt  }
0x3e: {  	_ =	shalt  }
0x3f: {  	_ =	shalt  }
0x40: {  	_ =	shalt  }
0x41: {  	_ =	shalt  }
0x42: {  	_ =	shalt  }
0x43: {  	_ =	shalt  }
0x44: {  	_ =	shalt  }
0x45: {  	_ =	shalt  }
0x46: {  	_ =	shalt  }
0x47: {  	_ =	shalt  }
0x48: {  	_ =	shalt  }
0x49: {  	_ =	shalt  }
0x4a: {  	_ =	shalt  }
0x4b: {  	_ =	shalt  }
0x4c: {  	_ =	shalt  }
0x4d: {  	_ =	shalt  }
0x4e: {  	_ =	shalt  }
0x4f: {  	_ =	shalt  }
0x50: {  	_ =	shalt  }
0x51: {  	_ =	shalt  }
0x52: {  	_ =	shalt  }
0x53: {  	_ =	shalt  }
0x54: {  	_ =	shalt  }
0x55: {  	_ =	shalt  }
0x56: {  	_ =	shalt  }
0x57: {  	_ =	shalt  }
0x58: {  	_ =	shalt  }
0x59: {  	_ =	shalt  }
0x5a: {  	_ =	shalt  }
0x5b: {  	_ =	shalt  }
0x5c: {  	_ =	shalt  }
0x5d: {  	_ =	shalt  }
0x5e: {  	_ =	shalt  }
0x5f: {  	_ =	shalt  }
0x60: {  	_ =	shalt  }
0x61: {  	_ =	shalt  }
0x62: {  	_ =	shalt  }
0x63: {  	_ =	shalt  }
0x64: {  	_ =	shalt  }
0x65: {  	_ =	shalt  }
0x66: {  	_ =	shalt  }
0x67: {  	_ =	shalt  }
0x68: {  	_ =	shalt  }
0x69: {  	_ =	shalt  }
0x6a: {  	_ =	shalt  }
0x6b: {  	_ =	shalt  }
0x6c: {  	_ =	shalt  }
0x6d: {  	_ =	shalt  }
0x6e: {  	_ =	shalt  }
0x6f: {  	_ =	shalt  }
0x70: {  	_ =	shalt  }
0x71: {  	_ =	shalt  }
0x72: {  	_ =	shalt  }
0x73: {  	_ =	shalt  }
0x74: {  	_ =	shalt  }
0x75: {  	_ =	shalt  }
0x76: {  	_ =	shalt  }
0x77: {  	_ =	shalt  }
0x78: {  	_ =	shalt  }
0x79: {  	_ =	shalt  }
0x7a: {  	_ =	shalt  }
0x7b: {  	_ =	shalt  }
0x7c: {  	_ =	shalt  }
0x7d: {  	_ =	shalt  }
0x7e: {  	_ =	shalt  }
0x7f: {  	_ =	shalt  }
0x80: {  	_ =	shalt  }
0x81: {  	_ =	shalt  }
0x82: {  	_ =	shalt  }
0x83: {  	_ =	shalt  }
0x84: {  	_ =	shalt  }
0x85: {  	_ =	shalt  }
0x86: {  	_ =	shalt  }
0x87: {  	_ =	shalt  }
.Lfunc_end0:
.L_simem_size_0:
called_computation_lowered:
.L_overlay_start_0:
0x88: {  	s2 =	sld [smem:$0x3FD9]  }
0x89: {  	s3 =	sld [smem:$0x3FFE];
	_ =	sdelay $0x1  }
0x8a: {  	s1 =	srdreg.scid  }
0x8b: {  	s0 =	sand.u32 $0x1, s1  }
0x8c: {  	s17 =	sshll.u32 s0, $0xA;
	s2 =	sadd.s32 s3, s2  }
0x8d: {  	s2 =	sadd.s32 s2, s17  }
0x8e: {  	[smem:$0x3FC6] =	sst s2  }
0x8f: {  	_ = 	snop  }
0x90: {  	s2 =	sld [smem:$0x3FC9];
	(tm) =	ssettm $0x1  }
0x91: {  	s18 =	sld [smem:$0x3FFB];
	_ =	sdelay $0x3  }
0x92: {  	_ =	strace s18  }
0x93: {  	s3 =	sld [smem:$0x3FFC];
	_ =	sdelay $0x3  }
0x94: {  	_ =	strace s3  }
0x95: {  	s3 =	sld [smem:$0x3FFD];
	_ =	sdelay $0x3  }
0x96: {  	_ =	strace s3  }
0x97: {  	_ =	strace $0x8FFFFFFF  }
0x98: {  	s19 =	sld [smem:$0x3FDB];
	_ =	sdelay $0x1  }
0x99: {  	s4 =	simm.s32 $_scs_section_size  }
0x9a: {  	s5 =	simm.s32 $_size__tile_overlayer_lowered;
	s6 =	simm.s32 $_tile_overlayer_lowered  }
0x9b: {  	s22 =	simm.s32 $0x1BFF;
	s21 =	sshll.u32 s6, $0x1;
	s3 =	sadd.s32 s4, s19  }
0x9c: {  	s7 =	simm.s32 $0x0;
	s20 =	sshll.u32 s5, $0x1;
	s5 =	sadd.s32 s21, s3  }
0x9d: {  	[timem:s7], [sflag:s22] =	dma.local [hbm:s5], s20  }
0x9e: {  	_ =	swait.ge [sflag:s22], s20  }
0x9f: {  	s4 =	ssub.s32 $0x0, s20;
	[sflag:s22] =	ssyncset.done $0x0  }
0xa0: {  	[sflag:s22] =	ssyncadd.s32 s4;
	_ =	sdelay $0x1  }
0xa1: {  	s23 =	simm.s32 $0x1B8B  }
0xa2: {  	_ =	swait.ge [sflag:s23], $0x1  }
0xa3: {  	[sflag:s23] =	ssyncset.done $0x0  }
0xa4: {  	s25 =	simm.s32 $0x1B8E;
	s24 =	sld [smem:$0x3FFE];
	[sflag:s23] =	ssyncadd.s32 $0xFFFFFFFF  }
0xa5: {  	s26 =	simm.s32 $execute0_lowered;
	[smem:$0x3FD2] =	sst s25  }
0xa6: {  	s5 =	sshll.u32 s26, $0x1;
	_ =	strace $0x80000046;
	[dreg:$0x1] =	wrdreg $0xFFFFFFFF  }
0xa7: {  	s28 =	simm.s32 $_size_execute0_lowered;
	s3 =	sadd.s32 s3, s5;
	[dreg:$0x0] =	wrdreg $0x0  }
0xa8: {  	s5 =	sshll.u32 s28, $0x1;
	[dreg:$0x2] =	wrdreg s3  }
0xa9: {  	[dreg:$0x3] =	wrdreg s5  }
0xaa: {  	[dreg:$0x4] =	wrdreg $0xC0  }
0xab: {  	_ =	task [dreg:s7], $0x5FFFF  }
0xac: {  	[dreg:$0x1] =	wrdreg $0xFFFFFFFF  }
0xad: {  	[dreg:$0x0] =	wrdreg $0x60  }
0xae: {  	[dreg:$0x2] =	wrdreg s24  }
0xaf: {  	[dreg:$0x3] =	wrdreg s2  }
0xb0: {  	[dreg:$0x4] =	wrdreg $0x9  }
0xb1: {  	_ =	task.clear_ibuf [dreg:s7], $0x5FFFF;
	_ =	strace $0x90000046  }
0xb2: {  	s29 =	simm.s32 $0x9;
	_ =	strace $0x80000048  }
0xb3: {  	_ =	swait.ge [sflag:s29], $0x1  }
0xb4: {  	[sflag:s29] =	ssyncadd.s32 $0xFFFFFFFF  }
0xb5: {  	_ =	strace $0x90000048  }
0xb6: {  	_ =	sfence  }
0xb7: {  	s30 =	sld [smem:$0x0];
	_ =	sdelay $0x2  }
0xb8: {  	s31 =	sshll.u32 s1, $0xD;
	s1 =	sshrl.u32 s1, $0x2  }
0xb9: {  	s3 =	sand.u32 $0x4000, s31;
	s1 =	sadd.s32 s1, s30  }
0xba: {  	s0 =	sor.u32 s3, s0;
	s1 =	sshll.u32 s1, $0x11  }
0xbb: {  	s0 =	sor.u32 s1, s0  }
0xbc: {  	s0 =	sadd.s32 $0x8F2B, s0  }
0xbd: {  	[sflag:s0] =	ssyncadd.remote.s32 $0x1  }
0xbe: {  	_ =	sfence.sel $0xFFFF  }
0xbf: {  	[dreg:$0x0] =	wrdreg $0xFFFFFFFF;
	(pc) =	sbr.abs _section_cstart, $3  }
0xc0: {  	[dreg:$0x1] =	wrdreg $0xFFFFFFFF  }
0xc1: {  	_ =	task.clear_ibuf [dreg:s7], $0x2FFFF;
	_ =	strace $0x9FFFFFFF  }
0xc2: {  	(tm) =	ssettm $0x7FFFFFFF  }
0xc3: {  	_ =	shalt  }
tec
execute0_lowered:
.L_overlay_start_1:
0x0: {  	(tag) =	ssettag $0x1  }
0x1: {  	s1 =	srdreg.scid;
	s2 =	stileid.u32  }
0x2: {  	s0 =	rddreg [dreg:$0x0];
	s1 =	sand.u32 $0x1, s1;
	s3 =	sshll.u32 s2, $0x1  }
0x3: {  	s6 =	rddreg [dreg:$0x1];
	s7 =	sor.u32 s1, s3  }
0x4: {  	s2 =	simm.s32 $0x0;
	s4 =	sadd.s32 $0x400, s0;
	s3 =	smul.u32 $0x6400, s7  }
0x5: {  	s5 =	sadd.s32 $0xF42800, s0;
	s1 =	ssub.s32 $0x2, s1;
	s31 =	smul.u32 $0x320000, s7  }
.Ltmp0:
0x6: {  	[smem:$0x7FF] =	sst s2;
	s29 =	sshrl.u32 s1, $0x1;
	(pc) =	sbr.rel .LBB2_1-.Ltmp0, $4  }
0x7: {  	_ =	strace $0x80000047;
	s0 =	ssub.s32 s1, s29;
	[dreg:$0x4] =	wrdreg s3  }
0x8: {  	s8 =	sshrl.u32 s3, $0x3;
	[dreg:$0x6] =	wrdreg s31;
	s0 =	smax.u32 s0, $0x1  }
0x9: {  	s30 =	sadd.s32 s6, s8;
	[dreg:$0x7] =	wrdreg s0  }
0xa: {  	s17 =	simm.s32 $0x0;
	s3 =	simm.s32 $0x0;
	[dreg:$0x5] =	wrdreg s30  }
.LBB2_10:
0xb: {  	s1 =	simm.s32 $0x4  }
0xc: {  	_ =	swait.ge [sflag:s1], $0x8000  }
0xd: {  	s3 =	rddreg [dreg:$0x8]  }
0xe: {  	s0 =	rddreg [dreg:$0x7];
	s3 =	sadd.s32 $0x1, s3  }
0xf: {  	p0 =	sne.s32 s3, s0  }
.Ltmp1:
0x10: {  	_ = 	snop;
	(pc) =	sbr.rel @!p0 .LBB2_11-.Ltmp1, $3  }
0x11: {  	_ =	sdelay $0x1  }
0x12: {  	[sflag:s1] =	ssyncset.done $0x0  }
0x13: {  	[sflag:s1] =	ssyncadd.s32 $0xFFFF8000  }
.LBB2_1:
0x14: {  	s0 =	rddreg [dreg:$0x5];
	s31 =	simm.s32 $0x5  }
0x15: {  	[tilespmem:s2], [sflag:$0x5] =	stream.linear.gather [hbm4b:s0+s2], $0x6400, $0x38;
	[tilespmem:$0x16400] =	vst v63  }
0x16: {  	_ =	swait.ge [sflag:s31], $0x6400  }
0x17: {  	[sflag:s31] =	ssyncset.done $0x0  }
0x18: {  	[sflag:s31] =	ssyncadd.s32 $0xFFFF9C00  }
0x19: {  	v0 =	vld [tilespmem:s2+$0x0];
	_ =	sdelay $0x4  }
0x1a: {  	v0 =	vshll.u32 v0, $0x4  }
0x1b: {  	(v2sf) =	vpush v0, $0x0  }
0x1c: {  	(v2sf) =	vpush v0, $0x1  }
0x1d: {  	(v2sf) =	vpush v0, $0x2;
	_ =	sdelay $0x1  }
0x1e: {  	(v2sf) =	vpush v0, $0x4;
	_ =	sdelay $0x1  }
0x1f: {  	(v2sf) =	vpush v0, $0x3  }
0x20: {  	(v2sf) =	vpush v0, $0x5  }
0x21: {  	s19 =	simm.s32 $0x2000;
	s18 =	simm.s32 $0x0;
	s20 =	simm.s32 $0x0;
	(v2sf) =	vpush v0, $0x6  }
.LBB2_2:
0x22: {  	p0 =	sne.s32 s19, $0x1E000  }
0x23: {  	s8 =	sadd.s32 $0x6480, s18;
	s24 =	sadd.s32 $0x6980, s18;
	s21 =	smov.u32 s19  }
0x24: {  	s19 =	sadd.s32 $0x2000, s19;
	s26 =	sadd.s32 $0x6780, s18;
	s22 =	sadd.s32 $0x6A00, s18;
	(v2sf) =	vpush v0, $0x7  }
0x25: {  	s6 =	sadd.s32 $0x6680, s18;
	s1 =	sadd.s32 $0x6800, s18;
	s23 =	sadd.s32 $0x6A80, s18  }
0x26: {  	s9 =	sadd.s32 $0x6400, s18;
	s28 =	sadd.s32 $0x6600, s18;
	(v2sf) =	vpush v0, $0x8  }
0x27: {  	s29 =	sadd.s32 $0x6700, s18;
	s20 =	sadd.s32 $0x10, s20  }
0x28: {  	s30 =	sadd.s32 $0x6500, s18;
	s25 =	sadd.s32 $0x6900, s18;
	s0 =	spop (v2sf);
	(v2sf) =	vpush v0, $0x9  }
0x29: {  	s31 =	sand.u32 $0x1FFFFFF0, s0;
	s0 =	sadd.s32 $0x6880, s18;
	s15 =	spop (v2sf)  }
0x2a: {  	s31 =	sadd.s32 s4, s31;
	s15 =	sand.u32 $0x1FFFFFF0, s15;
	s16 =	spop (v2sf);
	(v2sf) =	vpush v0, $0xA  }
0x2b: {  	[tilespmem:s9], [sflag:$0x1] =	stream.linear.gather [hbm4b:s31+s17], $0x80, $0x38;
	[tilespmem:$0x16400] =	vst v63  }
0x2c: {  	s9 =	sadd.s32 s4, s15;
	s15 =	sadd.s32 $0x6580, s18;
	s31 =	spop (v2sf);
	(v2sf) =	vpush v0, $0xB  }
0x2d: {  	[tilespmem:s8], [sflag:$0x1] =	stream.linear.gather [hbm4b:s9+s17], $0x80, $0x38;
	[tilespmem:$0x16400] =	vst v63  }
0x2e: {  	s8 =	sand.u32 $0x1FFFFFF0, s16;
	s9 =	sand.u32 $0x1FFFFFF0, s31;
	s16 =	spop (v2sf);
	(v2sf) =	vpush v0, $0xC  }
0x2f: {  	s8 =	sadd.s32 s4, s8;
	s16 =	sand.u32 $0x1FFFFFF0, s16;
	s31 =	spop (v2sf)  }
0x30: {  	[tilespmem:s30], [sflag:$0x1] =	stream.linear.gather [hbm4b:s8+s17], $0x80, $0x38;
	(v2sf) =	vpush v0, $0xD;
	[tilespmem:$0x16400] =	vst v63  }
0x31: {  	s8 =	sadd.s32 s4, s16;
	s16 =	sand.u32 $0x1FFFFFF0, s31;
	s30 =	spop (v2sf)  }
0x32: {  	[tilespmem:s15], [sflag:$0x1] =	stream.linear.gather [hbm4b:s8+s17], $0x80, $0x38;
	(v2sf) =	vpush v0, $0xE;
	[tilespmem:$0x16400] =	vst v63  }
0x33: {  	s8 =	sadd.s32 s4, s9;
	s9 =	sand.u32 $0x1FFFFFF0, s30;
	s15 =	spop (v2sf)  }
0x34: {  	[tilespmem:s28], [sflag:$0x1] =	stream.linear.gather [hbm4b:s8+s17], $0x80, $0x38;
	(v2sf) =	vpush v0, $0xF;
	[tilespmem:$0x16400] =	vst v63  }
0x35: {  	s8 =	sadd.s32 s4, s16;
	s15 =	sand.u32 $0x1FFFFFF0, s15;
	s16 =	spop (v2sf)  }
0x36: {  	[tilespmem:s6], [sflag:$0x1] =	stream.linear.gather [hbm4b:s8+s17], $0x80, $0x38;
	[tilespmem:$0x16400] =	vst v63  }
0x37: {  	s6 =	sadd.s32 s4, s9;
	s8 =	sand.u32 $0x1FFFFFF0, s16;
	s9 =	spop (v2sf)  }
0x38: {  	[tilespmem:s29], [sflag:$0x1] =	stream.linear.gather [hbm4b:s6+s17], $0x80, $0x38;
	[tilespmem:$0x16400] =	vst v63  }
0x39: {  	s6 =	sadd.s32 s4, s15;
	s9 =	sand.u32 $0x1FFFFFF0, s9;
	s15 =	spop (v2sf)  }
0x3a: {  	[tilespmem:s26], [sflag:$0x1] =	stream.linear.gather [hbm4b:s6+s17], $0x80, $0x38;
	[tilespmem:$0x16400] =	vst v63  }
0x3b: {  	s6 =	sadd.s32 s4, s8;
	s8 =	sand.u32 $0x1FFFFFF0, s15;
	s15 =	spop (v2sf)  }
0x3c: {  	[tilespmem:s1], [sflag:$0x1] =	stream.linear.gather [hbm4b:s6+s17], $0x80, $0x38;
	[tilespmem:$0x16400] =	vst v63  }
0x3d: {  	s1 =	sadd.s32 s4, s9;
	s6 =	sand.u32 $0x1FFFFFF0, s15;
	s9 =	spop (v2sf)  }
0x3e: {  	[tilespmem:s0], [sflag:$0x1] =	stream.linear.gather [hbm4b:s1+s17], $0x80, $0x38;
	[tilespmem:$0x16400] =	vst v63  }
0x3f: {  	s0 =	sadd.s32 s4, s8;
	s1 =	sand.u32 $0x1FFFFFF0, s9;
	s8 =	spop (v2sf)  }
0x40: {  	[tilespmem:s25], [sflag:$0x1] =	stream.linear.gather [hbm4b:s0+s17], $0x80, $0x38;
	[tilespmem:$0x16400] =	vst v63  }
0x41: {  	s0 =	sadd.s32 s4, s6;
	s6 =	sand.u32 $0x1FFFFFF0, s8;
	s8 =	spop (v2sf)  }
0x42: {  	[tilespmem:s24], [sflag:$0x1] =	stream.linear.gather [hbm4b:s0+s17], $0x80, $0x38;
	[tilespmem:$0x16400] =	vst v63  }
0x43: {  	s0 =	sadd.s32 s4, s1;
	s1 =	sand.u32 $0x1FFFFFF0, s8;
	s8 =	spop (v2sf)  }
0x44: {  	[tilespmem:s22], [sflag:$0x1] =	stream.linear.gather [hbm4b:s0+s17], $0x80, $0x38;
	[tilespmem:$0x16400] =	vst v63  }
0x45: {  	s0 =	sadd.s32 s4, s6;
	s6 =	sand.u32 $0x1FFFFFF0, s8  }
0x46: {  	[tilespmem:s23], [sflag:$0x1] =	stream.linear.gather [hbm4b:s0+s17], $0x80, $0x38;
	[tilespmem:$0x16400] =	vst v63  }
0x47: {  	s1 =	sadd.s32 s4, s1;
	s0 =	sadd.s32 $0x6B00, s18  }
0x48: {  	[tilespmem:s0], [sflag:$0x1] =	stream.linear.gather [hbm4b:s1+s17], $0x80, $0x38;
	[tilespmem:$0x16400] =	vst v63  }
0x49: {  	s0 =	sadd.s32 $0x6B80, s18;
	s1 =	sadd.s32 s4, s6  }
0x4a: {  	[tilespmem:s0], [sflag:$0x1] =	stream.linear.gather [hbm4b:s1+s17], $0x80, $0x38;
	[tilespmem:$0x16400] =	vst v63  }
0x4b: {  	v0 =	vld [tilespmem:s20+$0x0];
	_ =	sdelay $0x4  }
0x4c: {  	v0 =	vshll.u32 v0, $0x4  }
0x4d: {  	(v2sf) =	vpush v0, $0x0  }
0x4e: {  	(v2sf) =	vpush v0, $0x1  }
0x4f: {  	(v2sf) =	vpush v0, $0x2;
	_ =	sdelay $0x1  }
0x50: {  	(v2sf) =	vpush v0, $0x4  }
.Ltmp2:
0x51: {  	(pc) =	sbr.rel @p0 .LBB2_2-.Ltmp2, $3  }
0x52: {  	(v2sf) =	vpush v0, $0x3  }
0x53: {  	(v2sf) =	vpush v0, $0x5;
	_ =	sdelay $0x1  }
0x54: {  	s18 =	sshra.s32 s21, $0x2;
	(v2sf) =	vpush v0, $0x6  }
0x55: {  	_ =	sdelay $0x1  }
0x56: {  	[dreg:$0x8] =	wrdreg s3;
	s8 =	sadd.s32 $0x6480, s18;
	s6 =	sadd.s32 $0x6980, s18  }
0x57: {  	s9 =	sadd.s32 $0x6780, s18;
	s0 =	sadd.s32 $0x6A00, s18;
	(v2sf) =	vpush v0, $0x7;
	s15 =	sadd.s32 $0x6680, s18  }
0x58: {  	s16 =	sadd.s32 $0x6800, s18;
	s1 =	sadd.s32 $0x6A80, s18;
	s19 =	sadd.s32 $0x6400, s18  }
0x59: {  	s20 =	sadd.s32 $0x6600, s18;
	s21 =	sadd.s32 $0x6700, s18;
	(v2sf) =	vpush v0, $0x8;
	s22 =	spop (v2sf)  }
0x5a: {  	s23 =	sadd.s32 $0x6500, s18;
	s22 =	sand.u32 $0x1FFFFFF0, s22;
	s24 =	spop (v2sf)  }
0x5b: {  	(v2sf) =	vpush v0, $0x9;
	s22 =	sadd.s32 s4, s22;
	s24 =	sand.u32 $0x1FFFFFF0, s24;
	s25 =	spop (v2sf)  }
0x5c: {  	[tilespmem:s19], [sflag:$0x1] =	stream.linear.gather [hbm4b:s22+s17], $0x80, $0x38;
	[tilespmem:$0x16400] =	vst v63  }
0x5d: {  	s26 =	sadd.s32 $0x6580, s18;
	(v2sf) =	vpush v0, $0xA;
	s10 =	sadd.s32 s4, s24;
	s11 =	spop (v2sf)  }
0x5e: {  	[tilespmem:s8], [sflag:$0x1] =	stream.linear.gather [hbm4b:s10+s17], $0x80, $0x38;
	[tilespmem:$0x16400] =	vst v63  }
0x5f: {  	s19 =	sadd.s32 $0x6900, s18;
	s12 =	sand.u32 $0x1FFFFFF0, s25;
	(v2sf) =	vpush v0, $0xB;
	s13 =	spop (v2sf)  }
0x60: {  	s22 =	sadd.s32 s4, s12;
	s8 =	sadd.s32 $0x6880, s18;
	s25 =	sand.u32 $0x1FFFFFF0, s13  }
0x61: {  	(v2sf) =	vpush v0, $0xC;
	[tilespmem:s23], [sflag:$0x1] =	stream.linear.gather [hbm4b:s22+s17], $0x80, $0x38;
	[tilespmem:$0x16400] =	vst v63  }
0x62: {  	s14 =	sand.u32 $0x1FFFFFF0, s11;
	s28 =	spop (v2sf);
	s29 =	sadd.s32 s4, s25  }
0x63: {  	(v2sf) =	vpush v0, $0xD;
	[tilespmem:s26], [sflag:$0x1] =	stream.linear.gather [hbm4b:s29+s17], $0x80, $0x38;
	[tilespmem:$0x16400] =	vst v63  }
0x64: {  	s22 =	sadd.s32 s4, s14;
	s23 =	sand.u32 $0x1FFFFFF0, s28;
	s30 =	spop (v2sf)  }
0x65: {  	(v2sf) =	vpush v0, $0xE;
	[tilespmem:s20], [sflag:$0x1] =	stream.linear.gather [hbm4b:s22+s17], $0x80, $0x38;
	[tilespmem:$0x16400] =	vst v63  }
0x66: {  	s23 =	sadd.s32 s4, s23;
	s31 =	sand.u32 $0x1FFFFFF0, s30;
	s3 =	spop (v2sf)  }
0x67: {  	(v2sf) =	vpush v0, $0xF;
	[tilespmem:s15], [sflag:$0x1] =	stream.linear.gather [hbm4b:s23+s17], $0x80, $0x38;
	[tilespmem:$0x16400] =	vst v63  }
0x68: {  	s7 =	sand.u32 $0x1FFFFFF0, s3;
	s10 =	spop (v2sf);
	s20 =	sadd.s32 s4, s31  }
0x69: {  	[tilespmem:s21], [sflag:$0x1] =	stream.linear.gather [hbm4b:s20+s17], $0x80, $0x38;
	[tilespmem:$0x16400] =	vst v63  }
0x6a: {  	s11 =	sand.u32 $0x1FFFFFF0, s10;
	s15 =	sadd.s32 s4, s7;
	s12 =	spop (v2sf)  }
0x6b: {  	[tilespmem:s9], [sflag:$0x1] =	stream.linear.gather [hbm4b:s15+s17], $0x80, $0x38;
	[tilespmem:$0x16400] =	vst v63  }
0x6c: {  	s20 =	sadd.s32 s4, s11;
	s13 =	sand.u32 $0x1FFFFFF0, s12;
	s14 =	spop (v2sf)  }
0x6d: {  	[tilespmem:s16], [sflag:$0x1] =	stream.linear.gather [hbm4b:s20+s17], $0x80, $0x38;
	[tilespmem:$0x16400] =	vst v63  }
0x6e: {  	s15 =	sand.u32 $0x1FFFFFF0, s14;
	s9 =	sadd.s32 s4, s13;
	s20 =	spop (v2sf)  }
0x6f: {  	[tilespmem:s8], [sflag:$0x1] =	stream.linear.gather [hbm4b:s9+s17], $0x80, $0x38;
	[tilespmem:$0x16400] =	vst v63  }
0x70: {  	s15 =	sadd.s32 s4, s15;
	s21 =	sand.u32 $0x1FFFFFF0, s20;
	s22 =	spop (v2sf)  }
0x71: {  	[tilespmem:s19], [sflag:$0x1] =	stream.linear.gather [hbm4b:s15+s17], $0x80, $0x38;
	[tilespmem:$0x16400] =	vst v63  }
0x72: {  	s8 =	sadd.s32 s4, s21;
	s9 =	sand.u32 $0x1FFFFFF0, s22;
	s23 =	spop (v2sf)  }
0x73: {  	[tilespmem:s6], [sflag:$0x1] =	stream.linear.gather [hbm4b:s8+s17], $0x80, $0x38;
	[tilespmem:$0x16400] =	vst v63  }
0x74: {  	s24 =	sand.u32 $0x1FFFFFF0, s23;
	s9 =	sadd.s32 s4, s9;
	s25 =	spop (v2sf)  }
0x75: {  	[tilespmem:s0], [sflag:$0x1] =	stream.linear.gather [hbm4b:s9+s17], $0x80, $0x38;
	[tilespmem:$0x16400] =	vst v63  }
0x76: {  	s26 =	sand.u32 $0x1FFFFFF0, s25;
	s28 =	spop (v2sf);
	s6 =	sadd.s32 s4, s24  }
0x77: {  	[tilespmem:s1], [sflag:$0x1] =	stream.linear.gather [hbm4b:s6+s17], $0x80, $0x38;
	[tilespmem:$0x16400] =	vst v63  }
0x78: {  	s30 =	sadd.s32 $0x6B00, s18;
	s29 =	sand.u32 $0x1FFFFFF0, s28;
	s0 =	sadd.s32 s4, s26  }
0x79: {  	[tilespmem:s30], [sflag:$0x1] =	stream.linear.gather [hbm4b:s0+s17], $0x80, $0x38;
	[tilespmem:$0x16400] =	vst v63  }
0x7a: {  	s31 =	sadd.s32 $0x6B80, s18;
	s18 =	simm.s32 $0x0;
	s1 =	sadd.s32 s4, s29  }
0x7b: {  	[tilespmem:s31], [sflag:$0x1] =	stream.linear.gather [hbm4b:s1+s17], $0x80, $0x38;
	[tilespmem:$0x16400] =	vst v63  }
.LBB2_4:
0x7c: {  	s3 =	simm.s32 $0x1  }
0x7d: {  	_ =	swait.ge [sflag:s3], $0x8000  }
0x7e: {  	s0 =	sshll.u32 s18, $0x10;
	s1 =	rddreg [dreg:$0x6]  }
0x7f: {  	s0 =	sadd.s32 s1, s0  }
0x80: {  	s23 =	simm.s32 $0x6400;
	[sflag:s3] =	ssyncset.done $0x0;
	s0 =	sshrl.u32 s0, $0x3  }
0x81: {  	p0 =	seq.s32 s18, $0x0;
	[sflag:s3] =	ssyncadd.s32 $0xFFFF8000;
	s0 =	sadd.s32 s5, s0  }
0x82: {  	[hbm4b:s0+s2] =	stream.linear.scatter [tilespmem:s23], [sflag:$0x3], $0x8000, $0x38;
	[tilespmem:$0x16400] =	vst v63  }
0x83: {  	s19 =	sshll.u32 s18, $0x9;
	s0 =	simm.s32 @!p0 $0x4  }
0x84: {  	s24 =	sand.u32 $0x80, s17;
	s20 =	sor.u32 $0x100, s19;
	_ =	swait.ge @!p0 [sflag:s0], $0x8000  }
0x85: {  	s6 =	sand.u32 $0x70, s17;
	s1 =	sadd.s32 s24, s20;
	[sflag:s0] =	ssyncset.done @!p0 $0x0  }
0x86: {  	s25 =	sadd.s32 s6, s1;
	[sflag:s0] =	ssyncadd.s32 @!p0 $0xFFFF8000  }
0x87: {  	v0 =	vld [tilespmem:s25+$0x0];
	_ =	sdelay $0x4  }
0x88: {  	v0 =	vshll.u32 v0, $0x4  }
0x89: {  	(v2sf) =	vpush v0, $0x0  }
0x8a: {  	(v2sf) =	vpush v0, $0x1  }
0x8b: {  	(v2sf) =	vpush v0, $0x2;
	_ =	sdelay $0x1  }
0x8c: {  	(v2sf) =	vpush v0, $0x3;
	_ =	sdelay $0x3  }
0x8d: {  	(v2sf) =	vpush v0, $0x4;
	_ =	sdelay $0x1  }
0x8e: {  	(v2sf) =	vpush v0, $0x5  }
0x8f: {  	(v2sf) =	vpush v0, $0x6;
	_ =	sdelay $0x1  }
0x90: {  	s21 =	simm.s32 $0x2000;
	s22 =	simm.s32 $0x10  }
0x91: {  	s26 =	simm.s32 $0xE480;
	s9 =	simm.s32 $0xE780;
	s16 =	simm.s32 $0xE400  }
0x92: {  	s10 =	simm.s32 $0xE500;
	s13 =	simm.s32 $0xE580;
	s8 =	spop (v2sf);
	(v2sf) =	vpush v0, $0x7  }
0x93: {  	s28 =	simm.s32 $0xE900;
	s8 =	sand.u32 $0x1FFFFFF0, s8;
	s15 =	spop (v2sf)  }
0x94: {  	(v2sf) =	vpush v0, $0x8;
	s15 =	sand.u32 $0x1FFFFFF0, s15;
	s8 =	sadd.s32 s4, s8;
	s7 =	spop (v2sf)  }
0x95: {  	(v2sf) =	vpush v0, $0x9;
	[tilespmem:s16], [sflag:$0x2] =	stream.linear.gather [hbm4b:s8+s2], $0x80, $0x38;
	[tilespmem:$0x16400] =	vst v63  }
0x96: {  	s15 =	sadd.s32 s4, s15;
	s11 =	sand.u32 $0x1FFFFFF0, s7;
	s12 =	spop (v2sf);
	(v2sf) =	vpush v0, $0xA  }
0x97: {  	[tilespmem:s26], [sflag:$0x2] =	stream.linear.gather [hbm4b:s15+s2], $0x80, $0x38;
	[tilespmem:$0x16400] =	vst v63  }
0x98: {  	s29 =	simm.s32 $0xE980;
	s16 =	sand.u32 $0x1FFFFFF0, s12;
	s15 =	sadd.s32 s4, s11  }
0x99: {  	[tilespmem:s10], [sflag:$0x2] =	stream.linear.gather [hbm4b:s15+s2], $0x80, $0x38;
	[tilespmem:$0x16400] =	vst v63  }
0x9a: {  	s31 =	simm.s32 $0xEA00;
	s25 =	spop (v2sf);
	(v2sf) =	vpush v0, $0xB;
	s16 =	sadd.s32 s4, s16  }
0x9b: {  	[tilespmem:s13], [sflag:$0x2] =	stream.linear.gather [hbm4b:s16+s2], $0x80, $0x38;
	[tilespmem:$0x16400] =	vst v63  }
0x9c: {  	s3 =	simm.s32 $0xE600;
	s14 =	sand.u32 $0x1FFFFFF0, s25;
	s16 =	spop (v2sf)  }
0x9d: {  	s15 =	sadd.s32 s4, s14;
	s1 =	sand.u32 $0x1FFFFFF0, s16;
	s26 =	spop (v2sf)  }
0x9e: {  	[tilespmem:s3], [sflag:$0x2] =	stream.linear.gather [hbm4b:s15+s2], $0x80, $0x38;
	[tilespmem:$0x16400] =	vst v63  }
0x9f: {  	s25 =	simm.s32 $0xE680;
	(v2sf) =	vpush v0, $0xC;
	s15 =	sand.u32 $0x1FFFFFF0, s26;
	s1 =	sadd.s32 s4, s1  }
0xa0: {  	[tilespmem:s25], [sflag:$0x2] =	stream.linear.gather [hbm4b:s1+s2], $0x80, $0x38;
	[tilespmem:$0x16400] =	vst v63  }
0xa1: {  	s6 =	simm.s32 $0xE700;
	s7 =	sadd.s32 s4, s15;
	s3 =	spop (v2sf);
	(v2sf) =	vpush v0, $0xD  }
0xa2: {  	[tilespmem:s6], [sflag:$0x2] =	stream.linear.gather [hbm4b:s7+s2], $0x80, $0x38;
	[tilespmem:$0x16400] =	vst v63  }
0xa3: {  	s30 =	simm.s32 $0xEA80;
	s24 =	simm.s32 $0x0;
	s10 =	spop (v2sf);
	(v2sf) =	vpush v0, $0xE  }
0xa4: {  	s23 =	simm.s32 $0x4000;
	s0 =	sand.u32 $0x80, s22;
	s11 =	spop (v2sf)  }
0xa5: {  	s12 =	simm.s32 $0xE800;
	s8 =	sand.u32 $0x1FFFFFF0, s3;
	s14 =	spop (v2sf);
	(v2sf) =	vpush v0, $0xF  }
0xa6: {  	s13 =	simm.s32 $0xE880;
	s26 =	sadd.s32 s0, s20;
	s0 =	sadd.s32 s4, s8  }
0xa7: {  	[tilespmem:s9], [sflag:$0x2] =	stream.linear.gather [hbm4b:s0+s2], $0x80, $0x38;
	[tilespmem:$0x16400] =	vst v63  }
0xa8: {  	s25 =	simm.s32 $0xEB80;
	s1 =	sand.u32 $0x1FFFFFF0, s10;
	s6 =	sand.u32 $0x1FFFFFF0, s11  }
0xa9: {  	s1 =	sadd.s32 s4, s1;
	s15 =	sand.u32 $0x1FFFFFF0, s14;
	s16 =	spop (v2sf)  }
0xaa: {  	[tilespmem:s12], [sflag:$0x2] =	stream.linear.gather [hbm4b:s1+s2], $0x80, $0x38;
	[tilespmem:$0x16400] =	vst v63  }
0xab: {  	s6 =	sadd.s32 s4, s6;
	s1 =	sadd.s32 s4, s15;
	s0 =	sand.u32 $0x1FFFFFF0, s16  }
0xac: {  	[tilespmem:s13], [sflag:$0x2] =	stream.linear.gather [hbm4b:s6+s2], $0x80, $0x38;
	[tilespmem:$0x16400] =	vst v63  }
.LBB2_5:
0xad: {  	p0 =	sne.s32 s23, $0x1E000  }
0xae: {  	s6 =	sand.u32 $0x70, s22;
	s8 =	spop (v2sf);
	s9 =	smov.u32 s23  }
0xaf: {  	[tilespmem:s28], [sflag:$0x2] =	stream.linear.gather [hbm4b:s1+s2], $0x80, $0x38;
	[tilespmem:$0x16400] =	vst v63  }
0xb0: {  	s0 =	sadd.s32 s4, s0;
	s1 =	sand.u32 $0x1FFFFFF0, s8;
	s8 =	spop (v2sf)  }
0xb1: {  	[tilespmem:s29], [sflag:$0x2] =	stream.linear.gather [hbm4b:s0+s2], $0x80, $0x38;
	[tilespmem:$0x16400] =	vst v63  }
0xb2: {  	s0 =	sadd.s32 s4, s1;
	s1 =	sand.u32 $0x1FFFFFF0, s8;
	s8 =	spop (v2sf)  }
0xb3: {  	[tilespmem:s31], [sflag:$0x2] =	stream.linear.gather [hbm4b:s0+s2], $0x80, $0x38;
	[tilespmem:$0x16400] =	vst v63  }
0xb4: {  	s0 =	sadd.s32 s4, s1;
	s1 =	sand.u32 $0x1FFFFFF0, s8;
	s8 =	spop (v2sf)  }
0xb5: {  	[tilespmem:s30], [sflag:$0x2] =	stream.linear.gather [hbm4b:s0+s2], $0x80, $0x38;
	[tilespmem:$0x16400] =	vst v63  }
0xb6: {  	s1 =	sadd.s32 s4, s1;
	s0 =	sadd.s32 $0xEB00, s24;
	s8 =	sand.u32 $0x1FFFFFF0, s8  }
0xb7: {  	[tilespmem:s0], [sflag:$0x2] =	stream.linear.gather [hbm4b:s1+s2], $0x80, $0x38;
	[tilespmem:$0x16400] =	vst v63  }
0xb8: {  	s23 =	sadd.s32 $0x2000, s23;
	s0 =	sadd.s32 s6, s26;
	s1 =	sadd.s32 s4, s8  }
0xb9: {  	[tilespmem:s25], [sflag:$0x2] =	stream.linear.gather [hbm4b:s1+s2], $0x80, $0x38;
	[tilespmem:$0x16400] =	vst v63  }
0xba: {  	v0 =	vld [tilespmem:s0+$0x0];
	_ =	sdelay $0x4  }
0xbb: {  	v0 =	vshll.u32 v0, $0x4  }
0xbc: {  	(v2sf) =	vpush v0, $0x0  }
0xbd: {  	(v2sf) =	vpush v0, $0x1  }
0xbe: {  	(v2sf) =	vpush v0, $0x2  }
0xbf: {  	(v2sf) =	vpush v0, $0x3;
	_ =	sdelay $0x1  }
0xc0: {  	(v2sf) =	vpush v0, $0x4;
	_ =	sdelay $0x1  }
0xc1: {  	s22 =	sadd.s32 $0x10, s22;
	(v2sf) =	vpush v0, $0x5  }
0xc2: {  	s24 =	sshra.s32 s21, $0x2;
	s21 =	smov.u32 s9;
	s6 =	sand.u32 $0x80, s22  }
0xc3: {  	s15 =	sadd.s32 $0xE480, s24;
	s1 =	sadd.s32 $0xE780, s24;
	s0 =	sadd.s32 $0xE700, s24;
	(v2sf) =	vpush v0, $0x6  }
0xc4: {  	s16 =	sadd.s32 $0xE400, s24;
	s11 =	sadd.s32 $0xE600, s24;
	s28 =	sadd.s32 $0xE900, s24  }
0xc5: {  	s9 =	sadd.s32 $0xE680, s24;
	s29 =	sadd.s32 $0xE980, s24;
	s25 =	sadd.s32 $0xEB80, s24;
	(v2sf) =	vpush v0, $0x7  }
0xc6: {  	s31 =	sadd.s32 $0xEA00, s24;
	s26 =	sadd.s32 s6, s20;
	s6 =	sadd.s32 $0xE800, s24  }
0xc7: {  	s30 =	sadd.s32 $0xEA80, s24;
	(v2sf) =	vpush v0, $0x8  }
0xc8: {  	s8 =	sadd.s32 $0xE880, s24  }
0xc9: {  	s13 =	sadd.s32 $0xE580, s24;
	s3 =	spop (v2sf);
	(v2sf) =	vpush v0, $0x9  }
0xca: {  	s3 =	sand.u32 $0x1FFFFFF0, s3;
	s7 =	spop (v2sf)  }
0xcb: {  	s10 =	sadd.s32 $0xE500, s24;
	s7 =	sand.u32 $0x1FFFFFF0, s7;
	s12 =	spop (v2sf);
	(v2sf) =	vpush v0, $0xA  }
0xcc: {  	s3 =	sadd.s32 s4, s3;
	s12 =	sand.u32 $0x1FFFFFF0, s12;
	s14 =	spop (v2sf)  }
0xcd: {  	[tilespmem:s16], [sflag:$0x2] =	stream.linear.gather [hbm4b:s3+s2], $0x80, $0x38;
	(v2sf) =	vpush v0, $0xB;
	[tilespmem:$0x16400] =	vst v63  }
0xce: {  	s3 =	sadd.s32 s4, s7;
	s7 =	sand.u32 $0x1FFFFFF0, s14;
	s14 =	spop (v2sf)  }
0xcf: {  	[tilespmem:s15], [sflag:$0x2] =	stream.linear.gather [hbm4b:s3+s2], $0x80, $0x38;
	[tilespmem:$0x16400] =	vst v63  }
0xd0: {  	s3 =	sadd.s32 s4, s12;
	s12 =	sand.u32 $0x1FFFFFF0, s14;
	s14 =	spop (v2sf)  }
0xd1: {  	[tilespmem:s10], [sflag:$0x2] =	stream.linear.gather [hbm4b:s3+s2], $0x80, $0x38;
	(v2sf) =	vpush v0, $0xC;
	[tilespmem:$0x16400] =	vst v63  }
0xd2: {  	s3 =	sadd.s32 s4, s7;
	s7 =	sand.u32 $0x1FFFFFF0, s14;
	s10 =	spop (v2sf)  }
0xd3: {  	[tilespmem:s13], [sflag:$0x2] =	stream.linear.gather [hbm4b:s3+s2], $0x80, $0x38;
	(v2sf) =	vpush v0, $0xD;
	[tilespmem:$0x16400] =	vst v63  }
0xd4: {  	s3 =	sadd.s32 s4, s12;
	s10 =	sand.u32 $0x1FFFFFF0, s10;
	s12 =	spop (v2sf)  }
0xd5: {  	[tilespmem:s11], [sflag:$0x2] =	stream.linear.gather [hbm4b:s3+s2], $0x80, $0x38;
	(v2sf) =	vpush v0, $0xE;
	[tilespmem:$0x16400] =	vst v63  }
0xd6: {  	s3 =	sadd.s32 s4, s7;
	s7 =	sand.u32 $0x1FFFFFF0, s12;
	s11 =	spop (v2sf)  }
0xd7: {  	[tilespmem:s9], [sflag:$0x2] =	stream.linear.gather [hbm4b:s3+s2], $0x80, $0x38;
	(v2sf) =	vpush v0, $0xF;
	[tilespmem:$0x16400] =	vst v63  }
0xd8: {  	s3 =	sadd.s32 s4, s10;
	s9 =	sand.u32 $0x1FFFFFF0, s11;
	s10 =	spop (v2sf)  }
0xd9: {  	[tilespmem:s0], [sflag:$0x2] =	stream.linear.gather [hbm4b:s3+s2], $0x80, $0x38;
	[tilespmem:$0x16400] =	vst v63  }
0xda: {  	s0 =	sadd.s32 s4, s7;
	s3 =	sand.u32 $0x1FFFFFF0, s10;
	s7 =	spop (v2sf)  }
0xdb: {  	[tilespmem:s1], [sflag:$0x2] =	stream.linear.gather [hbm4b:s0+s2], $0x80, $0x38;
	[tilespmem:$0x16400] =	vst v63  }
.Ltmp3:
0xdc: {  	_ = 	snop;
	(pc) =	sbr.rel @p0 .LBB2_5-.Ltmp3, $4  }
0xdd: {  	s0 =	sadd.s32 s4, s9;
	s1 =	sand.u32 $0x1FFFFFF0, s7;
	s7 =	spop (v2sf)  }
0xde: {  	[tilespmem:s6], [sflag:$0x2] =	stream.linear.gather [hbm4b:s0+s2], $0x80, $0x38;
	[tilespmem:$0x16400] =	vst v63  }
0xdf: {  	s3 =	sadd.s32 s4, s3;
	s1 =	sadd.s32 s4, s1;
	s0 =	sand.u32 $0x1FFFFFF0, s7  }
0xe0: {  	[tilespmem:s8], [sflag:$0x2] =	stream.linear.gather [hbm4b:s3+s2], $0x80, $0x38;
	[tilespmem:$0x16400] =	vst v63  }
0xe1: {  	[tilespmem:s28], [sflag:$0x2] =	stream.linear.gather [hbm4b:s1+s2], $0x80, $0x38;
	[tilespmem:$0x16400] =	vst v63  }
0xe2: {  	s0 =	sadd.s32 s4, s0;
	s6 =	spop (v2sf)  }
0xe3: {  	[tilespmem:s29], [sflag:$0x2] =	stream.linear.gather [hbm4b:s0+s2], $0x80, $0x38;
	[tilespmem:$0x16400] =	vst v63  }
0xe4: {  	s0 =	sand.u32 $0x1FFFFFF0, s6  }
0xe5: {  	s7 =	spop (v2sf);
	s0 =	sadd.s32 s4, s0  }
0xe6: {  	[tilespmem:s31], [sflag:$0x2] =	stream.linear.gather [hbm4b:s0+s2], $0x80, $0x38;
	[tilespmem:$0x16400] =	vst v63  }
0xe7: {  	s0 =	sand.u32 $0x1FFFFFF0, s7  }
0xe8: {  	s8 =	spop (v2sf);
	s0 =	sadd.s32 s4, s0  }
0xe9: {  	[tilespmem:s30], [sflag:$0x2] =	stream.linear.gather [hbm4b:s0+s2], $0x80, $0x38;
	[tilespmem:$0x16400] =	vst v63  }
0xea: {  	s0 =	sand.u32 $0x1FFFFFF0, s8  }
0xeb: {  	s9 =	sadd.s32 $0xEB00, s24;
	s10 =	spop (v2sf);
	s0 =	sadd.s32 s4, s0  }
0xec: {  	[tilespmem:s9], [sflag:$0x2] =	stream.linear.gather [hbm4b:s0+s2], $0x80, $0x38;
	[tilespmem:$0x16400] =	vst v63  }
0xed: {  	s0 =	sand.u32 $0x1FFFFFF0, s10  }
0xee: {  	s11 =	sand.u32 $0x70, s22;
	s0 =	sadd.s32 s4, s0  }
0xef: {  	[tilespmem:s25], [sflag:$0x2] =	stream.linear.gather [hbm4b:s0+s2], $0x80, $0x38;
	[tilespmem:$0x16400] =	vst v63  }
0xf0: {  	s0 =	sadd.s32 s11, s26  }
0xf1: {  	v0 =	vld [tilespmem:s0+$0x0];
	_ =	sdelay $0x4  }
0xf2: {  	v0 =	vshll.u32 v0, $0x4  }
0xf3: {  	(v2sf) =	vpush v0, $0x0;
	_ =	sdelay $0x1  }
0xf4: {  	(v2sf) =	vpush v0, $0x1;
	_ =	sdelay $0x1  }
0xf5: {  	(v2sf) =	vpush v0, $0x2;
	_ =	sdelay $0x2  }
0xf6: {  	(v2sf) =	vpush v0, $0x3;
	_ =	sdelay $0x7  }
0xf7: {  	s12 =	spop (v2sf);
	(v2sf) =	vpush v0, $0x4;
	_ =	sdelay $0x1  }
0xf8: {  	s14 =	spop (v2sf);
	(v2sf) =	vpush v0, $0x5;
	_ =	sdelay $0x1  }
0xf9: {  	s16 =	spop (v2sf);
	(v2sf) =	vpush v0, $0x6;
	_ =	sdelay $0x1  }
0xfa: {  	s21 =	sshra.s32 s21, $0x2;
	s0 =	sand.u32 $0x1FFFFFF0, s12  }
0xfb: {  	s13 =	sadd.s32 $0xE400, s21;
	s0 =	sadd.s32 s4, s0;
	s23 =	spop (v2sf);
	(v2sf) =	vpush v0, $0x7  }
0xfc: {  	[tilespmem:s13], [sflag:$0x2] =	stream.linear.gather [hbm4b:s0+s2], $0x80, $0x38;
	[tilespmem:$0x16400] =	vst v63  }
0xfd: {  	s0 =	sand.u32 $0x1FFFFFF0, s14  }
0xfe: {  	s15 =	sadd.s32 $0xE480, s21;
	s0 =	sadd.s32 s4, s0  }
0xff: {  	[tilespmem:s15], [sflag:$0x2] =	stream.linear.gather [hbm4b:s0+s2], $0x80, $0x38;
	[tilespmem:$0x16400] =	vst v63  }
0x100: {  	s0 =	sand.u32 $0x1FFFFFF0, s16  }
0x101: {  	s22 =	sadd.s32 $0xE500, s21;
	s0 =	sadd.s32 s4, s0  }
0x102: {  	[tilespmem:s22], [sflag:$0x2] =	stream.linear.gather [hbm4b:s0+s2], $0x80, $0x38;
	[tilespmem:$0x16400] =	vst v63  }
0x103: {  	s25 =	spop (v2sf);
	(v2sf) =	vpush v0, $0x8  }
0x104: {  	s0 =	sand.u32 $0x1FFFFFF0, s23  }
0x105: {  	s24 =	sadd.s32 $0xE580, s21;
	s0 =	sadd.s32 s4, s0;
	s28 =	spop (v2sf);
	(v2sf) =	vpush v0, $0x9  }
0x106: {  	[tilespmem:s24], [sflag:$0x2] =	stream.linear.gather [hbm4b:s0+s2], $0x80, $0x38;
	[tilespmem:$0x16400] =	vst v63  }
0x107: {  	s0 =	sand.u32 $0x1FFFFFF0, s25;
	s30 =	spop (v2sf);
	(v2sf) =	vpush v0, $0xA  }
0x108: {  	s26 =	sadd.s32 $0xE600, s21;
	s0 =	sadd.s32 s4, s0  }
0x109: {  	[tilespmem:s26], [sflag:$0x2] =	stream.linear.gather [hbm4b:s0+s2], $0x80, $0x38;
	[tilespmem:$0x16400] =	vst v63  }
0x10a: {  	s1 =	spop (v2sf);
	(v2sf) =	vpush v0, $0xB  }
0x10b: {  	s0 =	sand.u32 $0x1FFFFFF0, s28  }
0x10c: {  	s29 =	sadd.s32 $0xE680, s21;
	s0 =	sadd.s32 s4, s0  }
0x10d: {  	[tilespmem:s29], [sflag:$0x2] =	stream.linear.gather [hbm4b:s0+s2], $0x80, $0x38;
	[tilespmem:$0x16400] =	vst v63  }
0x10e: {  	s0 =	sand.u32 $0x1FFFFFF0, s30  }
0x10f: {  	s31 =	sadd.s32 $0xE700, s21;
	s0 =	sadd.s32 s4, s0  }
0x110: {  	[tilespmem:s31], [sflag:$0x2] =	stream.linear.gather [hbm4b:s0+s2], $0x80, $0x38;
	[tilespmem:$0x16400] =	vst v63  }
0x111: {  	s0 =	sand.u32 $0x1FFFFFF0, s1  }
0x112: {  	s3 =	sadd.s32 $0xE780, s21;
	s0 =	sadd.s32 s4, s0;
	s6 =	spop (v2sf);
	(v2sf) =	vpush v0, $0xC  }
0x113: {  	[tilespmem:s3], [sflag:$0x2] =	stream.linear.gather [hbm4b:s0+s2], $0x80, $0x38;
	[tilespmem:$0x16400] =	vst v63  }
0x114: {  	s8 =	spop (v2sf);
	(v2sf) =	vpush v0, $0xD  }
0x115: {  	s0 =	sand.u32 $0x1FFFFFF0, s6  }
0x116: {  	s7 =	sadd.s32 $0xE800, s21;
	s0 =	sadd.s32 s4, s0;
	s10 =	spop (v2sf)  }
0x117: {  	(v2sf) =	vpush v0, $0xE;
	[tilespmem:s7], [sflag:$0x2] =	stream.linear.gather [hbm4b:s0+s2], $0x80, $0x38;
	[tilespmem:$0x16400] =	vst v63  }
0x118: {  	s0 =	sand.u32 $0x1FFFFFF0, s8  }
0x119: {  	s9 =	sadd.s32 $0xE880, s21;
	s12 =	spop (v2sf);
	s0 =	sadd.s32 s4, s0  }
0x11a: {  	(v2sf) =	vpush v0, $0xF;
	[tilespmem:s9], [sflag:$0x2] =	stream.linear.gather [hbm4b:s0+s2], $0x80, $0x38;
	[tilespmem:$0x16400] =	vst v63  }
0x11b: {  	s0 =	sand.u32 $0x1FFFFFF0, s10  }
0x11c: {  	s11 =	sadd.s32 $0xE900, s21;
	s0 =	sadd.s32 s4, s0  }
0x11d: {  	[tilespmem:s11], [sflag:$0x2] =	stream.linear.gather [hbm4b:s0+s2], $0x80, $0x38;
	[tilespmem:$0x16400] =	vst v63  }
0x11e: {  	s0 =	sand.u32 $0x1FFFFFF0, s12  }
0x11f: {  	s13 =	sadd.s32 $0xE980, s21;
	s0 =	sadd.s32 s4, s0  }
0x120: {  	[tilespmem:s13], [sflag:$0x2] =	stream.linear.gather [hbm4b:s0+s2], $0x80, $0x38;
	[tilespmem:$0x16400] =	vst v63  }
0x121: {  	s14 =	spop (v2sf)  }
0x122: {  	s0 =	sand.u32 $0x1FFFFFF0, s14  }
0x123: {  	s15 =	sadd.s32 $0xEA00, s21;
	s16 =	spop (v2sf);
	s0 =	sadd.s32 s4, s0  }
0x124: {  	[tilespmem:s15], [sflag:$0x2] =	stream.linear.gather [hbm4b:s0+s2], $0x80, $0x38;
	[tilespmem:$0x16400] =	vst v63  }
0x125: {  	s0 =	sand.u32 $0x1FFFFFF0, s16  }
0x126: {  	s22 =	sadd.s32 $0xEA80, s21;
	s23 =	spop (v2sf);
	s0 =	sadd.s32 s4, s0  }
0x127: {  	[tilespmem:s22], [sflag:$0x2] =	stream.linear.gather [hbm4b:s0+s2], $0x80, $0x38;
	[tilespmem:$0x16400] =	vst v63  }
0x128: {  	s0 =	sand.u32 $0x1FFFFFF0, s23  }
0x129: {  	s24 =	sadd.s32 $0xEB00, s21;
	s25 =	spop (v2sf);
	s0 =	sadd.s32 s4, s0  }
0x12a: {  	[tilespmem:s24], [sflag:$0x2] =	stream.linear.gather [hbm4b:s0+s2], $0x80, $0x38;
	[tilespmem:$0x16400] =	vst v63  }
0x12b: {  	s0 =	sand.u32 $0x1FFFFFF0, s25  }
0x12c: {  	s26 =	sadd.s32 $0xEB80, s21;
	s28 =	simm.s32 $0x2;
	s0 =	sadd.s32 s4, s0  }
0x12d: {  	[tilespmem:s26], [sflag:$0x2] =	stream.linear.gather [hbm4b:s0+s2], $0x80, $0x38;
	[tilespmem:$0x16400] =	vst v63  }
0x12e: {  	_ =	swait.ge [sflag:s28], $0x8000  }
0x12f: {  	s29 =	rddreg [dreg:$0x4]  }
0x130: {  	p0 =	seq.s32 s18, $0x31;
	s30 =	simm.s32 $0xE400;
	s0 =	sadd.s32 s29, s20  }
0x131: {  	s31 =	simm.s32 $0x3;
	[sflag:s28] =	ssyncset.done $0x0;
	s0 =	sshll.u32 s0, $0x4  }
.Ltmp4:
0x132: {  	[sflag:s28] =	ssyncadd.s32 $0xFFFF8000;
	s0 =	sadd.s32 s5, s0;
	(pc) =	sbr.rel @p0 .LBB2_10-.Ltmp4, $4  }
0x133: {  	[hbm4b:s0+s2] =	stream.linear.scatter [tilespmem:s30], [sflag:$0x4], $0x8000, $0x38;
	[tilespmem:$0x16400] =	vst v63  }
0x134: {  	_ =	swait.ge [sflag:s31], $0x8000  }
0x135: {  	[sflag:s31] =	ssyncset.done $0x0  }
0x136: {  	[sflag:s31] =	ssyncadd.s32 $0xFFFF8000  }
0x137: {  	s0 =	sand.u32 $0x3FFFFE00, s19  }
0x138: {  	s0 =	sadd.s32 $0x200, s0  }
0x139: {  	s1 =	simm.s32 $0x0;
	[dreg:$0x3] =	wrdreg s0  }
0x13a: {  	s3 =	sand.u32 $0x80, s1;
	s0 =	rddreg [dreg:$0x3]  }
0x13b: {  	s1 =	sand.u32 $0x70, s1;
	s0 =	sadd.s32 s3, s0  }
0x13c: {  	s0 =	sadd.s32 s1, s0  }
0x13d: {  	v0 =	vld [tilespmem:s0+$0x0];
	_ =	sdelay $0x4  }
0x13e: {  	v0 =	vshll.u32 v0, $0x4  }
0x13f: {  	(v2sf) =	vpush v0, $0x0  }
0x140: {  	(v2sf) =	vpush v0, $0x1  }
0x141: {  	(v2sf) =	vpush v0, $0x2;
	_ =	sdelay $0x1  }
0x142: {  	(v2sf) =	vpush v0, $0x3  }
0x143: {  	(v2sf) =	vpush v0, $0x4;
	_ =	sdelay $0x1  }
0x144: {  	(v2sf) =	vpush v0, $0x5;
	_ =	sdelay $0x1  }
0x145: {  	(v2sf) =	vpush v0, $0x6  }
0x146: {  	s19 =	simm.s32 $0x2000;
	s21 =	simm.s32 $0x4000;
	s20 =	simm.s32 $0x10  }
0x147: {  	s22 =	simm.s32 $0x0;
	s6 =	simm.s32 $0x6880;
	s24 =	simm.s32 $0x6900  }
0x148: {  	s7 =	simm.s32 $0x6400;
	s8 =	simm.s32 $0x6700;
	s9 =	simm.s32 $0x6780  }
0x149: {  	s10 =	simm.s32 $0x6680;
	s11 =	simm.s32 $0x6800;
	s23 =	simm.s32 $0x6B80;
	(v2sf) =	vpush v0, $0x7  }
0x14a: {  	s13 =	simm.s32 $0x6580;
	s15 =	simm.s32 $0x6480;
	s16 =	simm.s32 $0x6500  }
0x14b: {  	s28 =	simm.s32 $0x6980;
	s29 =	simm.s32 $0x6A00;
	(v2sf) =	vpush v0, $0x8;
	s12 =	spop (v2sf)  }
0x14c: {  	s3 =	simm.s32 $0x6600;
	s14 =	spop (v2sf);
	s12 =	sand.u32 $0x1FFFFFF0, s12  }
0x14d: {  	s1 =	rddreg [dreg:$0x3];
	(v2sf) =	vpush v0, $0x9;
	s25 =	spop (v2sf);
	s12 =	sadd.s32 s4, s12  }
0x14e: {  	[tilespmem:s7], [sflag:$0x1] =	stream.linear.gather [hbm4b:s12+s2], $0x80, $0x38;
	[tilespmem:$0x16400] =	vst v63  }
0x14f: {  	s0 =	sand.u32 $0x80, s20;
	(v2sf) =	vpush v0, $0xA;
	s14 =	sand.u32 $0x1FFFFFF0, s14;
	s26 =	spop (v2sf)  }
0x150: {  	s25 =	sand.u32 $0x1FFFFFF0, s25;
	s14 =	sadd.s32 s4, s14;
	s30 =	spop (v2sf)  }
0x151: {  	(v2sf) =	vpush v0, $0xB;
	[tilespmem:s15], [sflag:$0x1] =	stream.linear.gather [hbm4b:s14+s2], $0x80, $0x38;
	[tilespmem:$0x16400] =	vst v63  }
0x152: {  	s12 =	sand.u32 $0x1FFFFFF0, s26;
	s7 =	sadd.s32 s4, s25;
	s15 =	spop (v2sf)  }
0x153: {  	[tilespmem:s16], [sflag:$0x1] =	stream.linear.gather [hbm4b:s7+s2], $0x80, $0x38;
	[tilespmem:$0x16400] =	vst v63  }
0x154: {  	s31 =	sand.u32 $0x1FFFFFF0, s30;
	s12 =	sadd.s32 s4, s12;
	s25 =	spop (v2sf)  }
0x155: {  	[tilespmem:s13], [sflag:$0x1] =	stream.linear.gather [hbm4b:s12+s2], $0x80, $0x38;
	[tilespmem:$0x16400] =	vst v63  }
0x156: {  	s16 =	sand.u32 $0x1FFFFFF0, s15;
	s7 =	sadd.s32 s4, s31;
	s26 =	sand.u32 $0x1FFFFFF0, s25  }
0x157: {  	[tilespmem:s3], [sflag:$0x1] =	stream.linear.gather [hbm4b:s7+s2], $0x80, $0x38;
	[tilespmem:$0x16400] =	vst v63  }
0x158: {  	s30 =	spop (v2sf);
	s25 =	sadd.s32 s0, s1;
	s12 =	sadd.s32 s4, s16  }
0x159: {  	[tilespmem:s10], [sflag:$0x1] =	stream.linear.gather [hbm4b:s12+s2], $0x80, $0x38;
	[tilespmem:$0x16400] =	vst v63  }
0x15a: {  	s31 =	spop (v2sf);
	s7 =	sand.u32 $0x1FFFFFF0, s30;
	s3 =	sadd.s32 s4, s26  }
0x15b: {  	[tilespmem:s8], [sflag:$0x1] =	stream.linear.gather [hbm4b:s3+s2], $0x80, $0x38;
	[tilespmem:$0x16400] =	vst v63  }
0x15c: {  	s7 =	sadd.s32 s4, s7;
	s12 =	sand.u32 $0x1FFFFFF0, s31;
	s13 =	spop (v2sf)  }
0x15d: {  	[tilespmem:s9], [sflag:$0x1] =	stream.linear.gather [hbm4b:s7+s2], $0x80, $0x38;
	[tilespmem:$0x16400] =	vst v63  }
0x15e: {  	s15 =	sadd.s32 s4, s12;
	s14 =	sand.u32 $0x1FFFFFF0, s13;
	s16 =	spop (v2sf)  }
0x15f: {  	(v2sf) =	vpush v0, $0xC;
	[tilespmem:s11], [sflag:$0x1] =	stream.linear.gather [hbm4b:s15+s2], $0x80, $0x38;
	[tilespmem:$0x16400] =	vst v63  }
0x160: {  	(v2sf) =	vpush v0, $0xD;
	s0 =	sadd.s32 s4, s14;
	s30 =	sand.u32 $0x1FFFFFF0, s16;
	s31 =	spop (v2sf)  }
0x161: {  	(v2sf) =	vpush v0, $0xE;
	[tilespmem:s6], [sflag:$0x1] =	stream.linear.gather [hbm4b:s0+s2], $0x80, $0x38;
	[tilespmem:$0x16400] =	vst v63  }
0x162: {  	s26 =	simm.s32 $0x6A80;
	(v2sf) =	vpush v0, $0xF;
	s1 =	sadd.s32 s4, s30;
	s0 =	sand.u32 $0x1FFFFFF0, s31  }
.LBB2_8:
0x163: {  	_ =	sdelay $0x7  }
0x164: {  	[tilespmem:s24], [sflag:$0x1] =	stream.linear.gather [hbm4b:s1+s2], $0x80, $0x38;
	[tilespmem:$0x16400] =	vst v63  }
0x165: {  	s0 =	sadd.s32 s4, s0  }
0x166: {  	[tilespmem:s28], [sflag:$0x1] =	stream.linear.gather [hbm4b:s0+s2], $0x80, $0x38;
	[tilespmem:$0x16400] =	vst v63  }
0x167: {  	s6 =	spop (v2sf)  }
0x168: {  	s3 =	sand.u32 $0x70, s20;
	s14 =	sand.u32 $0x1FFFFFF0, s6;
	s15 =	spop (v2sf)  }
0x169: {  	s16 =	sadd.s32 s4, s14;
	s24 =	sand.u32 $0x1FFFFFF0, s15;
	s30 =	spop (v2sf)  }
0x16a: {  	[tilespmem:s29], [sflag:$0x1] =	stream.linear.gather [hbm4b:s16+s2], $0x80, $0x38;
	[tilespmem:$0x16400] =	vst v63  }
0x16b: {  	s1 =	sadd.s32 s4, s24;
	s6 =	sand.u32 $0x1FFFFFF0, s30;
	s7 =	spop (v2sf)  }
0x16c: {  	[tilespmem:s26], [sflag:$0x1] =	stream.linear.gather [hbm4b:s1+s2], $0x80, $0x38;
	[tilespmem:$0x16400] =	vst v63  }
0x16d: {  	s8 =	sadd.s32 $0x6B00, s22;
	s1 =	sadd.s32 s4, s6;
	s6 =	sand.u32 $0x1FFFFFF0, s7  }
0x16e: {  	[tilespmem:s8], [sflag:$0x1] =	stream.linear.gather [hbm4b:s1+s2], $0x80, $0x38;
	[tilespmem:$0x16400] =	vst v63  }
0x16f: {  	s9 =	sadd.s32 s3, s25;
	s10 =	sadd.s32 s4, s6  }
0x170: {  	[tilespmem:s23], [sflag:$0x1] =	stream.linear.gather [hbm4b:s10+s2], $0x80, $0x38;
	[tilespmem:$0x16400] =	vst v63  }
0x171: {  	v0 =	vld [tilespmem:s9+$0x0];
	_ =	sdelay $0x4  }
0x172: {  	v0 =	vshll.u32 v0, $0x4  }
0x173: {  	(v2sf) =	vpush v0, $0x0  }
0x174: {  	(v2sf) =	vpush v0, $0x1  }
0x175: {  	(v2sf) =	vpush v0, $0x2;
	_ =	sdelay $0x1  }
0x176: {  	(v2sf) =	vpush v0, $0x3;
	_ =	sdelay $0x1  }
0x177: {  	(v2sf) =	vpush v0, $0x4;
	_ =	sdelay $0x1  }
0x178: {  	p0 =	sne.s32 s21, $0x1E000;
	s31 =	smov.u32 s21;
	s20 =	sadd.s32 $0x10, s20;
	(v2sf) =	vpush v0, $0x5  }
0x179: {  	s21 =	sadd.s32 $0x2000, s21;
	s22 =	sshra.s32 s19, $0x2;
	s11 =	sand.u32 $0x80, s20  }
0x17a: {  	s3 =	sadd.s32 $0x6580, s22;
	s19 =	smov.u32 s31;
	s13 =	sadd.s32 $0x6500, s22;
	(v2sf) =	vpush v0, $0x6  }
0x17b: {  	s0 =	sadd.s32 $0x6780, s22;
	s28 =	sadd.s32 $0x6980, s22;
	s30 =	sadd.s32 $0x6880, s22  }
0x17c: {  	s24 =	sadd.s32 $0x6900, s22;
	s29 =	sadd.s32 $0x6A00, s22;
	s7 =	rddreg [dreg:$0x3];
	(v2sf) =	vpush v0, $0x7  }
0x17d: {  	s26 =	sadd.s32 $0x6A80, s22;
	s6 =	sadd.s32 $0x6700, s22;
	s25 =	sadd.s32 s11, s7  }
0x17e: {  	s7 =	sadd.s32 $0x6480, s22;
	s8 =	sadd.s32 $0x6600, s22;
	s1 =	sadd.s32 $0x6800, s22;
	(v2sf) =	vpush v0, $0x8  }
0x17f: {  	s10 =	sadd.s32 $0x6400, s22;
	s23 =	sadd.s32 $0x6B80, s22;
	s11 =	spop (v2sf)  }
0x180: {  	s9 =	sadd.s32 $0x6680, s22;
	(v2sf) =	vpush v0, $0x9;
	s11 =	sand.u32 $0x1FFFFFF0, s11;
	s12 =	spop (v2sf)  }
0x181: {  	s12 =	sand.u32 $0x1FFFFFF0, s12;
	s14 =	spop (v2sf);
	s11 =	sadd.s32 s4, s11  }
0x182: {  	(v2sf) =	vpush v0, $0xA;
	[tilespmem:s10], [sflag:$0x1] =	stream.linear.gather [hbm4b:s11+s2], $0x80, $0x38;
	[tilespmem:$0x16400] =	vst v63  }
0x183: {  	s14 =	sand.u32 $0x1FFFFFF0, s14;
	s15 =	spop (v2sf);
	(v2sf) =	vpush v0, $0xB;
	s12 =	sadd.s32 s4, s12  }
0x184: {  	[tilespmem:s7], [sflag:$0x1] =	stream.linear.gather [hbm4b:s12+s2], $0x80, $0x38;
	[tilespmem:$0x16400] =	vst v63  }
0x185: {  	s15 =	sand.u32 $0x1FFFFFF0, s15;
	s16 =	spop (v2sf);
	s31 =	sadd.s32 s4, s14  }
0x186: {  	[tilespmem:s13], [sflag:$0x1] =	stream.linear.gather [hbm4b:s31+s2], $0x80, $0x38;
	[tilespmem:$0x16400] =	vst v63  }
0x187: {  	s10 =	sand.u32 $0x1FFFFFF0, s16;
	s14 =	spop (v2sf);
	s15 =	sadd.s32 s4, s15  }
0x188: {  	[tilespmem:s3], [sflag:$0x1] =	stream.linear.gather [hbm4b:s15+s2], $0x80, $0x38;
	[tilespmem:$0x16400] =	vst v63  }
0x189: {  	s16 =	sand.u32 $0x1FFFFFF0, s14;
	s10 =	sadd.s32 s4, s10;
	s31 =	spop (v2sf)  }
0x18a: {  	[tilespmem:s8], [sflag:$0x1] =	stream.linear.gather [hbm4b:s10+s2], $0x80, $0x38;
	[tilespmem:$0x16400] =	vst v63  }
0x18b: {  	s13 =	sand.u32 $0x1FFFFFF0, s31;
	s14 =	spop (v2sf);
	s15 =	sadd.s32 s4, s16  }
0x18c: {  	[tilespmem:s9], [sflag:$0x1] =	stream.linear.gather [hbm4b:s15+s2], $0x80, $0x38;
	[tilespmem:$0x16400] =	vst v63  }
0x18d: {  	s16 =	sand.u32 $0x1FFFFFF0, s14;
	s31 =	spop (v2sf);
	s9 =	sadd.s32 s4, s13  }
0x18e: {  	[tilespmem:s6], [sflag:$0x1] =	stream.linear.gather [hbm4b:s9+s2], $0x80, $0x38;
	[tilespmem:$0x16400] =	vst v63  }
0x18f: {  	s12 =	sadd.s32 s4, s16;
	s10 =	sand.u32 $0x1FFFFFF0, s31;
	s11 =	spop (v2sf)  }
0x190: {  	[tilespmem:s0], [sflag:$0x1] =	stream.linear.gather [hbm4b:s12+s2], $0x80, $0x38;
	[tilespmem:$0x16400] =	vst v63  }
.Ltmp5:
0x191: {  	s15 =	sadd.s32 s4, s10;
	s14 =	spop (v2sf);
	(pc) =	sbr.rel @p0 .LBB2_8-.Ltmp5, $4  }
0x192: {  	(v2sf) =	vpush v0, $0xC;
	s13 =	sand.u32 $0x1FFFFFF0, s11;
	s16 =	sand.u32 $0x1FFFFFF0, s14;
	s31 =	spop (v2sf)  }
0x193: {  	(v2sf) =	vpush v0, $0xD;
	[tilespmem:s1], [sflag:$0x1] =	stream.linear.gather [hbm4b:s15+s2], $0x80, $0x38;
	[tilespmem:$0x16400] =	vst v63  }
0x194: {  	(v2sf) =	vpush v0, $0xE;
	s6 =	sadd.s32 s4, s13;
	s1 =	sadd.s32 s4, s16;
	s0 =	sand.u32 $0x1FFFFFF0, s31  }
0x195: {  	(v2sf) =	vpush v0, $0xF;
	[tilespmem:s30], [sflag:$0x1] =	stream.linear.gather [hbm4b:s6+s2], $0x80, $0x38;
	[tilespmem:$0x16400] =	vst v63  }
0x196: {  	_ =	sdelay $0x7  }
0x197: {  	[tilespmem:s24], [sflag:$0x1] =	stream.linear.gather [hbm4b:s1+s2], $0x80, $0x38;
	[tilespmem:$0x16400] =	vst v63  }
0x198: {  	s0 =	sadd.s32 s4, s0  }
0x199: {  	[tilespmem:s28], [sflag:$0x1] =	stream.linear.gather [hbm4b:s0+s2], $0x80, $0x38;
	[tilespmem:$0x16400] =	vst v63  }
0x19a: {  	s6 =	spop (v2sf)  }
0x19b: {  	s3 =	sand.u32 $0x70, s20;
	s11 =	sand.u32 $0x1FFFFFF0, s6;
	s12 =	spop (v2sf)  }
0x19c: {  	s13 =	sadd.s32 s4, s11;
	s14 =	sand.u32 $0x1FFFFFF0, s12;
	s15 =	spop (v2sf)  }
0x19d: {  	[tilespmem:s29], [sflag:$0x1] =	stream.linear.gather [hbm4b:s13+s2], $0x80, $0x38;
	[tilespmem:$0x16400] =	vst v63  }
0x19e: {  	s16 =	sadd.s32 s4, s14;
	s20 =	sand.u32 $0x1FFFFFF0, s15;
	s21 =	spop (v2sf)  }
0x19f: {  	[tilespmem:s26], [sflag:$0x1] =	stream.linear.gather [hbm4b:s16+s2], $0x80, $0x38;
	[tilespmem:$0x16400] =	vst v63  }
0x1a0: {  	s22 =	sadd.s32 $0x6B00, s22;
	s1 =	sadd.s32 s4, s20;
	s6 =	sand.u32 $0x1FFFFFF0, s21  }
0x1a1: {  	[tilespmem:s22], [sflag:$0x1] =	stream.linear.gather [hbm4b:s1+s2], $0x80, $0x38;
	[tilespmem:$0x16400] =	vst v63  }
0x1a2: {  	s24 =	sadd.s32 s3, s25;
	s25 =	sadd.s32 s4, s6  }
0x1a3: {  	[tilespmem:s23], [sflag:$0x1] =	stream.linear.gather [hbm4b:s25+s2], $0x80, $0x38;
	[tilespmem:$0x16400] =	vst v63  }
0x1a4: {  	v0 =	vld [tilespmem:s24+$0x0];
	_ =	sdelay $0x4  }
0x1a5: {  	v0 =	vshll.u32 v0, $0x4  }
0x1a6: {  	(v2sf) =	vpush v0, $0x0  }
0x1a7: {  	(v2sf) =	vpush v0, $0x1  }
0x1a8: {  	(v2sf) =	vpush v0, $0x2;
	_ =	sdelay $0x1  }
0x1a9: {  	(v2sf) =	vpush v0, $0x3;
	_ =	sdelay $0x1  }
0x1aa: {  	(v2sf) =	vpush v0, $0x4;
	_ =	sdelay $0x1  }
0x1ab: {  	(v2sf) =	vpush v0, $0x5;
	_ =	sdelay $0x1  }
0x1ac: {  	(v2sf) =	vpush v0, $0x6  }
0x1ad: {  	s19 =	sshra.s32 s19, $0x2  }
0x1ae: {  	s7 =	sadd.s32 $0x6400, s19;
	s9 =	sadd.s32 $0x6700, s19;
	s10 =	sadd.s32 $0x6780, s19;
	(v2sf) =	vpush v0, $0x7  }
0x1af: {  	s8 =	sadd.s32 $0x6980, s19;
	s0 =	sadd.s32 $0x6900, s19;
	s11 =	sadd.s32 $0x6680, s19  }
0x1b0: {  	s12 =	sadd.s32 $0x6800, s19;
	s13 =	sadd.s32 $0x6580, s19;
	s15 =	sadd.s32 $0x6480, s19;
	(v2sf) =	vpush v0, $0x8  }
0x1b1: {  	s21 =	sadd.s32 $0x6500, s19;
	s26 =	sadd.s32 $0x6600, s19;
	s14 =	spop (v2sf)  }
0x1b2: {  	s6 =	sadd.s32 $0x6880, s19;
	(v2sf) =	vpush v0, $0x9;
	s16 =	spop (v2sf);
	s14 =	sand.u32 $0x1FFFFFF0, s14  }
0x1b3: {  	s16 =	sand.u32 $0x1FFFFFF0, s16;
	s28 =	spop (v2sf);
	s14 =	sadd.s32 s4, s14  }
0x1b4: {  	(v2sf) =	vpush v0, $0xA;
	[tilespmem:s7], [sflag:$0x1] =	stream.linear.gather [hbm4b:s14+s2], $0x80, $0x38;
	[tilespmem:$0x16400] =	vst v63  }
0x1b5: {  	s29 =	sand.u32 $0x1FFFFFF0, s28;
	s30 =	spop (v2sf);
	s16 =	sadd.s32 s4, s16  }
0x1b6: {  	(v2sf) =	vpush v0, $0xB;
	[tilespmem:s15], [sflag:$0x1] =	stream.linear.gather [hbm4b:s16+s2], $0x80, $0x38;
	[tilespmem:$0x16400] =	vst v63  }
0x1b7: {  	s14 =	sand.u32 $0x1FFFFFF0, s30;
	s31 =	spop (v2sf);
	s7 =	sadd.s32 s4, s29  }
0x1b8: {  	(v2sf) =	vpush v0, $0xC;
	[tilespmem:s21], [sflag:$0x1] =	stream.linear.gather [hbm4b:s7+s2], $0x80, $0x38;
	[tilespmem:$0x16400] =	vst v63  }
0x1b9: {  	s16 =	sand.u32 $0x1FFFFFF0, s31;
	s14 =	sadd.s32 s4, s14;
	s21 =	spop (v2sf)  }
0x1ba: {  	(v2sf) =	vpush v0, $0xD;
	[tilespmem:s13], [sflag:$0x1] =	stream.linear.gather [hbm4b:s14+s2], $0x80, $0x38;
	[tilespmem:$0x16400] =	vst v63  }
0x1bb: {  	s7 =	sadd.s32 s4, s16;
	s22 =	sand.u32 $0x1FFFFFF0, s21;
	s23 =	spop (v2sf)  }
0x1bc: {  	[tilespmem:s26], [sflag:$0x1] =	stream.linear.gather [hbm4b:s7+s2], $0x80, $0x38;
	[tilespmem:$0x16400] =	vst v63  }
0x1bd: {  	s24 =	sand.u32 $0x1FFFFFF0, s23;
	s25 =	spop (v2sf);
	s13 =	sadd.s32 s4, s22  }
0x1be: {  	(v2sf) =	vpush v0, $0xE;
	[tilespmem:s11], [sflag:$0x1] =	stream.linear.gather [hbm4b:s13+s2], $0x80, $0x38;
	[tilespmem:$0x16400] =	vst v63  }
0x1bf: {  	s3 =	sadd.s32 s4, s24;
	s7 =	sand.u32 $0x1FFFFFF0, s25;
	s26 =	spop (v2sf)  }
0x1c0: {  	(v2sf) =	vpush v0, $0xF;
	[tilespmem:s9], [sflag:$0x1] =	stream.linear.gather [hbm4b:s3+s2], $0x80, $0x38;
	[tilespmem:$0x16400] =	vst v63  }
0x1c1: {  	s28 =	sand.u32 $0x1FFFFFF0, s26;
	s7 =	sadd.s32 s4, s7;
	s29 =	spop (v2sf)  }
0x1c2: {  	[tilespmem:s10], [sflag:$0x1] =	stream.linear.gather [hbm4b:s7+s2], $0x80, $0x38;
	[tilespmem:$0x16400] =	vst v63  }
0x1c3: {  	s3 =	sadd.s32 s4, s28;
	s30 =	sand.u32 $0x1FFFFFF0, s29;
	s31 =	spop (v2sf)  }
0x1c4: {  	[tilespmem:s12], [sflag:$0x1] =	stream.linear.gather [hbm4b:s3+s2], $0x80, $0x38;
	[tilespmem:$0x16400] =	vst v63  }
0x1c5: {  	s9 =	sand.u32 $0x1FFFFFF0, s31;
	s10 =	spop (v2sf);
	s7 =	sadd.s32 s4, s30  }
0x1c6: {  	[tilespmem:s6], [sflag:$0x1] =	stream.linear.gather [hbm4b:s7+s2], $0x80, $0x38;
	[tilespmem:$0x16400] =	vst v63  }
0x1c7: {  	s11 =	sand.u32 $0x1FFFFFF0, s10;
	s3 =	sadd.s32 s4, s9;
	s12 =	spop (v2sf)  }
0x1c8: {  	[tilespmem:s0], [sflag:$0x1] =	stream.linear.gather [hbm4b:s3+s2], $0x80, $0x38;
	[tilespmem:$0x16400] =	vst v63  }
0x1c9: {  	s13 =	sadd.s32 s4, s11;
	s14 =	sand.u32 $0x1FFFFFF0, s12;
	s15 =	spop (v2sf)  }
0x1ca: {  	[tilespmem:s8], [sflag:$0x1] =	stream.linear.gather [hbm4b:s13+s2], $0x80, $0x38;
	[tilespmem:$0x16400] =	vst v63  }
0x1cb: {  	s20 =	sadd.s32 $0x6A00, s19;
	s16 =	sadd.s32 s4, s14;
	s21 =	sand.u32 $0x1FFFFFF0, s15  }
0x1cc: {  	[tilespmem:s20], [sflag:$0x1] =	stream.linear.gather [hbm4b:s16+s2], $0x80, $0x38;
	[tilespmem:$0x16400] =	vst v63  }
0x1cd: {  	s1 =	sadd.s32 $0x6A80, s19;
	s22 =	spop (v2sf);
	s23 =	sadd.s32 s4, s21  }
0x1ce: {  	[tilespmem:s1], [sflag:$0x1] =	stream.linear.gather [hbm4b:s23+s2], $0x80, $0x38;
	[tilespmem:$0x16400] =	vst v63  }
.Ltmp6:
0x1cf: {  	s24 =	sand.u32 $0x1FFFFFF0, s22;
	s25 =	spop (v2sf);
	(pc) =	sbr.rel .LBB2_4-.Ltmp6, $4  }
0x1d0: {  	s26 =	sadd.s32 $0x6B00, s19;
	s28 =	sadd.s32 s4, s24;
	s29 =	sand.u32 $0x1FFFFFF0, s25  }
0x1d1: {  	[tilespmem:s26], [sflag:$0x1] =	stream.linear.gather [hbm4b:s28+s2], $0x80, $0x38;
	[tilespmem:$0x16400] =	vst v63  }
0x1d2: {  	s18 =	sadd.s32 $0x1, s18;
	s30 =	sadd.s32 $0x6B80, s19;
	s31 =	sadd.s32 s4, s29  }
0x1d3: {  	[tilespmem:s30], [sflag:$0x1] =	stream.linear.gather [hbm4b:s31+s2], $0x80, $0x38;
	[tilespmem:$0x16400] =	vst v63  }
.LBB2_11:
0x1d4: {  	_ =	sfence.sel $0x180000  }
0x1d5: {  	[bflag:$0x0] =	sbarrier.arrive $0xFFFF  }
0x1d6: {  	_ =	strace $0x90000047  }
0x1d7: {  	s0 =	stileid.u32;
	[bflag:$0x2] =	sbarrier.arrive $0xFFFF  }
0x1d8: {  	p0 =	sne.s32 s0, $0x0;
	s0 =	rddreg [dreg:$0x2]  }
0x1d9: {  	s0 =	sadd.s32 @!p0 $0x100000, s0  }
0x1da: {  	[sflag:s0] =	ssyncadd.tile.s32 @!p0 $0x1;
	_ =	shalt  }
.Lfunc_end2:
_tile_overlayer_lowered:
.L_overlay_start_2:
0x1db: {  	(tag) =	ssettag $0x2  }
0x1dc: {  	s0 =	rddreg [dreg:$0x0];
	s2 =	stileid.u32  }
0x1dd: {  	s1 =	rddreg [dreg:$0x1];
	p0 =	sne.s32 s2, $0x0  }
0x1de: {  	s3 =	rddreg [dreg:$0x2];
	[bflag:$0x3] =	sbarrier.arrive $0xFFFF;
	s2 =	simm.s32 @!p0 $0x1C05  }
0x1df: {  	[timem:s3], [sflag:s2] =	dma.local @!p0 [hbm:s0], s1  }
0x1e0: {  	s0 =	simm.s32 @!p0 $0x5  }
0x1e1: {  	_ =	swait.ge @!p0 [sflag:s0], s1  }
0x1e2: {  	s1 =	ssub.s32 @!p0 $0x0, s1;
	[sflag:s0] =	ssyncset.done @!p0 $0x0  }
0x1e3: {  	[sflag:s0] =	ssyncadd.s32 @!p0 s1  }
0x1e4: {  	[bflag:$0x3] =	sbarrier.arrive $0xFFFF  }
0x1e5: {  	_ =	shalt  }

</sc_bundles>
